<compile_context>
chip_gen: v7x
topology: tpu7x:2x2x1
jax: 0.10.2.dev20260603
libtpu: 0.0.44.dev20260713+nightly
codegen_flags: <defaults>
</compile_context>

<pallas_src>
import functools

import jax
import jax.numpy as jnp
from jax import lax
from jax.experimental import pallas as pl
from jax.experimental.pallas import tpu as pltpu
from jax.experimental.pallas import tpu_sc as plsc

DIM = 1024
HIDDEN = 1024
E = 8
TOP_K = 2
NT = 2048
LANES = 128
NEG = float("-inf")

BLK = 576
NBLK = (NT * TOP_K - E) // BLK + E
RPAD = NBLK * BLK

NWORKERS = 32
TPW = NT // NWORKERS

_DN = (((1,), (1,)), ((), ()))


def _router_body(xf_ref, g_ref, b_ref, d0_ref, d1_ref, s0_ref,
                 s1_ref, be_ref, act_ref):
    xf = xf_ref[...]
    scores = jnp.dot(xf, g_ref[...], preferred_element_type=jnp.float32)
    sig = jax.nn.sigmoid(scores)
    lane = lax.broadcasted_iota(jnp.int32, (NT, E), 1)
    biased = sig + b_ref[0, :][None, :]
    m1 = jnp.max(biased, axis=1, keepdims=True)
    idx1 = jnp.min(jnp.where(biased == m1, lane, E), axis=1, keepdims=True)
    sel1 = lane == idx1
    b2 = jnp.where(sel1, NEG, biased)
    m2 = jnp.max(b2, axis=1, keepdims=True)
    idx2 = jnp.min(jnp.where(b2 == m2, lane, E), axis=1, keepdims=True)
    sel2 = lane == idx2
    s0_ref[...] = jnp.sum(jnp.where(sel1, sig, 0.0), axis=1, keepdims=True)
    s1_ref[...] = jnp.sum(jnp.where(sel2, sig, 0.0), axis=1, keepdims=True)

    c = jnp.where(sel1 | sel2, 1.0, 0.0)
    ii = lax.broadcasted_iota(jnp.int32, (LANES, LANES), 0)
    jj = lax.broadcasted_iota(jnp.int32, (LANES, LANES), 1)
    lt = jnp.where(jj < ii, 1.0, 0.0)
    nch = NT // LANES
    base = jnp.zeros((1, E), jnp.float32)
    excl_chunks = []
    for g in range(nch):
        cg = lax.slice(c, (g * LANES, 0), ((g + 1) * LANES, E))
        eg = jnp.dot(lt, cg, preferred_element_type=jnp.float32)
        excl_chunks.append(eg + base)
        base = base + jnp.sum(cg, axis=0, keepdims=True)
    excl = jnp.concatenate(excl_chunks, axis=0)
    counts = base

    pc = jnp.floor((counts + (BLK - 1)) * (1.0 / BLK)) * BLK
    ii8 = lax.broadcasted_iota(jnp.int32, (E, E), 0)
    jj8 = lax.broadcasted_iota(jnp.int32, (E, E), 1)
    su = jnp.where(ii8 < jj8, 1.0, 0.0)
    offs = jnp.dot(pc, su, preferred_element_type=jnp.float32)
    dest = offs + excl
    d0_ref[...] = jnp.sum(jnp.where(sel1, dest, 0.0), axis=1,
                          keepdims=True).astype(jnp.int32)
    d1_ref[...] = jnp.sum(jnp.where(sel2, dest, 0.0), axis=1,
                          keepdims=True).astype(jnp.int32)

    cum_incl = offs + pc
    bcol = lax.broadcasted_iota(jnp.int32, (LANES, 1), 0).astype(jnp.float32)
    cmp = jnp.where(cum_incl * (1.0 / BLK) <= bcol, 1.0, 0.0)
    be = jnp.minimum(jnp.sum(cmp, axis=1, keepdims=True), float(E - 1))
    be_ref[...] = be.astype(jnp.int32)
    tp = jnp.sum(pc, axis=1, keepdims=True)
    act_ref[...] = jnp.where(bcol * BLK < tp, 1, 0).astype(jnp.int32)


def _run_router(xf, gate, expert_bias):
    bp = expert_bias.reshape(1, E)
    outs = pl.pallas_call(
        _router_body,
        grid=(1,),
        in_specs=[
            pl.BlockSpec((NT, DIM), lambda i: (0, 0)),
            pl.BlockSpec((DIM, E), lambda i: (0, 0)),
            pl.BlockSpec((1, E), lambda i: (0, 0)),
        ],
        out_specs=[
            pl.BlockSpec((NT, 1), lambda i: (0, 0)),
            pl.BlockSpec((NT, 1), lambda i: (0, 0)),
            pl.BlockSpec((NT, 1), lambda i: (0, 0)),
            pl.BlockSpec((NT, 1), lambda i: (0, 0)),
            pl.BlockSpec((LANES, 1), lambda i: (0, 0)),
            pl.BlockSpec((LANES, 1), lambda i: (0, 0)),
        ],
        out_shape=[
            jax.ShapeDtypeStruct((NT, 1), jnp.int32),
            jax.ShapeDtypeStruct((NT, 1), jnp.int32),
            jax.ShapeDtypeStruct((NT, 1), jnp.float32),
            jax.ShapeDtypeStruct((NT, 1), jnp.float32),
            jax.ShapeDtypeStruct((LANES, 1), jnp.int32),
            jax.ShapeDtypeStruct((LANES, 1), jnp.int32),
        ],
    )(xf, gate, bp)
    return outs


def _dispatch_body(x_hbm, d0_hbm, d1_hbm, xg_hbm, rows_v, d0_v, d1_v, sem):
    wid = lax.axis_index("s") * 2 + lax.axis_index("c")
    base = wid * TPW
    l0 = pltpu.async_copy(d0_hbm.at[pl.ds(base, TPW)], d0_v, sem)
    l1 = pltpu.async_copy(d1_hbm.at[pl.ds(base, TPW)], d1_v, sem)
    l2 = pltpu.async_copy(x_hbm.at[pl.ds(base, TPW)], rows_v, sem)
    l0.wait()
    l1.wait()
    l2.wait()
    c0 = pltpu.async_copy(rows_v, xg_hbm.at[d0_v], sem)
    c1 = pltpu.async_copy(rows_v, xg_hbm.at[d1_v], sem)
    c0.wait()
    c1.wait()


@functools.cache
def _build_dispatch():
    return pl.kernel(
        _dispatch_body,
        out_type=jax.ShapeDtypeStruct((RPAD, DIM), jnp.float32),
        mesh=plsc.VectorSubcoreMesh(core_axis_name="c", subcore_axis_name="s"),
        scratch_types=[
            pltpu.VMEM((TPW, DIM), jnp.float32),
            pltpu.VMEM((TPW,), jnp.int32),
            pltpu.VMEM((TPW,), jnp.int32),
            pltpu.SemaphoreType.DMA,
        ],
    )


def _dispatch(xf, d0, d1):
    return _build_dispatch()(xf, d0, d1)


def _gmm_body(be_ref, act_ref, na_ref, xg_ref, w1_ref, w3_ref, w2_ref,
              eo_ref, w1s, w3s, w2s):
    b = pl.program_id(0)
    prev = be_ref[jnp.maximum(b - 1, 0)]
    changed = (b == 0) | (be_ref[b] != prev)

    @pl.when((act_ref[b] == 1) & changed)
    def _():
        w1s[...] = w1_ref[0].astype(jnp.bfloat16)
        w3s[...] = w3_ref[0].astype(jnp.bfloat16)
        w2s[...] = w2_ref[0].astype(jnp.bfloat16)

    @pl.when(act_ref[b] == 1)
    def _():
        xb = xg_ref[...].astype(jnp.bfloat16)
        t1 = lax.dot_general(xb, w1s[...], _DN,
                             preferred_element_type=jnp.float32)
        t3 = lax.dot_general(xb, w3s[...], _DN,
                             preferred_element_type=jnp.float32)
        h = ((t1 * jax.nn.sigmoid(t1)) * t3).astype(jnp.bfloat16)
        eo_ref[...] = lax.dot_general(
            h, w2s[...], _DN, preferred_element_type=jnp.float32)


def _run_gmm(be, act, na, xg, w1, w3, w2):
    return pl.pallas_call(
        _gmm_body,
        grid_spec=pltpu.PrefetchScalarGridSpec(
            num_scalar_prefetch=3,
            grid=(NBLK,),
            in_specs=[
                pl.BlockSpec(
                    (BLK, DIM),
                    lambda b, be_r, act_r, na_r:
                        (jnp.minimum(b, na_r[0] - 1), 0)),
                pl.BlockSpec((1, HIDDEN, DIM),
                             lambda b, be_r, act_r, na_r: (be_r[b], 0, 0)),
                pl.BlockSpec((1, HIDDEN, DIM),
                             lambda b, be_r, act_r, na_r: (be_r[b], 0, 0)),
                pl.BlockSpec((1, DIM, HIDDEN),
                             lambda b, be_r, act_r, na_r: (be_r[b], 0, 0)),
            ],
            out_specs=pl.BlockSpec(
                (BLK, DIM),
                lambda b, be_r, act_r, na_r:
                    (jnp.minimum(b, na_r[0] - 1), 0)),
            scratch_shapes=[
                pltpu.VMEM((HIDDEN, DIM), jnp.bfloat16),
                pltpu.VMEM((HIDDEN, DIM), jnp.bfloat16),
                pltpu.VMEM((DIM, HIDDEN), jnp.bfloat16),
            ],
        ),
        out_shape=jax.ShapeDtypeStruct((RPAD, DIM), jnp.float32),
        compiler_params=pltpu.CompilerParams(
            vmem_limit_bytes=100 * 1024 * 1024,
        ),
    )(be, act, na, xg, w1, w3, w2)


def _collect_body(eo_hbm, d0_hbm, d1_hbm, g0_hbm, g1_hbm,
                  r0_v, r1_v, d0_v, d1_v, sem):
    wid = lax.axis_index("s") * 2 + lax.axis_index("c")
    base = wid * TPW
    half = TPW // 2
    l0 = pltpu.async_copy(d0_hbm.at[pl.ds(base, TPW)], d0_v, sem)
    l1 = pltpu.async_copy(d1_hbm.at[pl.ds(base, TPW)], d1_v, sem)
    l0.wait()
    l1.wait()
    for p in range(2):
        off = p * half
        g0 = pltpu.async_copy(eo_hbm.at[d0_v.at[pl.ds(off, half)]], r0_v, sem)
        g1 = pltpu.async_copy(eo_hbm.at[d1_v.at[pl.ds(off, half)]], r1_v, sem)
        g0.wait()
        g1.wait()
        s0 = pltpu.async_copy(r0_v, g0_hbm.at[pl.ds(base + off, half)], sem)
        s1 = pltpu.async_copy(r1_v, g1_hbm.at[pl.ds(base + off, half)], sem)
        s0.wait()
        s1.wait()


@functools.cache
def _build_collect():
    return pl.kernel(
        _collect_body,
        out_type=(jax.ShapeDtypeStruct((NT, DIM), jnp.float32),
                  jax.ShapeDtypeStruct((NT, DIM), jnp.float32)),
        mesh=plsc.VectorSubcoreMesh(core_axis_name="c", subcore_axis_name="s"),
        scratch_types=[
            pltpu.VMEM((TPW // 2, DIM), jnp.float32),
            pltpu.VMEM((TPW // 2, DIM), jnp.float32),
            pltpu.VMEM((TPW,), jnp.int32),
            pltpu.VMEM((TPW,), jnp.int32),
            pltpu.SemaphoreType.DMA,
        ],
    )


def _collect(eo, d0, d1):
    return _build_collect()(eo, d0, d1)


def _shared_body(xf_ref, ws1_ref, ws2_ref, ws3_ref, sh_ref, ws1s, ws2s, ws3s):
    i = pl.program_id(0)

    @pl.when(i == 0)
    def _():
        ws1s[...] = ws1_ref[...].astype(jnp.bfloat16)
        ws2s[...] = ws2_ref[...].astype(jnp.bfloat16)
        ws3s[...] = ws3_ref[...].astype(jnp.bfloat16)

    xb = xf_ref[...].astype(jnp.bfloat16)
    u1 = lax.dot_general(xb, ws1s[...], _DN,
                         preferred_element_type=jnp.float32)
    u3 = lax.dot_general(xb, ws3s[...], _DN,
                         preferred_element_type=jnp.float32)
    hs = ((u1 * jax.nn.sigmoid(u1)) * u3).astype(jnp.bfloat16)
    sh_ref[...] = lax.dot_general(hs, ws2s[...], _DN,
                                  preferred_element_type=jnp.float32)


def _run_shared(xf, ws1, ws2, ws3):
    nb = 4
    bt = NT // nb
    return pl.pallas_call(
        _shared_body,
        grid=(nb,),
        in_specs=[
            pl.BlockSpec((bt, DIM), lambda i: (i, 0)),
            pl.BlockSpec((HIDDEN, DIM), lambda i: (0, 0)),
            pl.BlockSpec((DIM, HIDDEN), lambda i: (0, 0)),
            pl.BlockSpec((HIDDEN, DIM), lambda i: (0, 0)),
        ],
        out_specs=pl.BlockSpec((bt, DIM), lambda i: (i, 0)),
        out_shape=jax.ShapeDtypeStruct((NT, DIM), jnp.float32),
        scratch_shapes=[
            pltpu.VMEM((HIDDEN, DIM), jnp.bfloat16),
            pltpu.VMEM((DIM, HIDDEN), jnp.bfloat16),
            pltpu.VMEM((HIDDEN, DIM), jnp.bfloat16),
        ],
    )(xf, ws1, ws2, ws3)


def _combine_body(sh_ref, g0_ref, g1_ref, s0_ref, s1_ref, out_ref):
    out_ref[...] = (s0_ref[...] * g0_ref[...]
                    + s1_ref[...] * g1_ref[...] + sh_ref[...])


def _run_combine(sh, g0, g1, s0, s1):
    nb = 4
    bt = NT // nb
    return pl.pallas_call(
        _combine_body,
        grid=(nb,),
        in_specs=[
            pl.BlockSpec((bt, DIM), lambda i: (i, 0)),
            pl.BlockSpec((bt, DIM), lambda i: (i, 0)),
            pl.BlockSpec((bt, DIM), lambda i: (i, 0)),
            pl.BlockSpec((bt, 1), lambda i: (i, 0)),
            pl.BlockSpec((bt, 1), lambda i: (i, 0)),
        ],
        out_specs=pl.BlockSpec((bt, DIM), lambda i: (i, 0)),
        out_shape=jax.ShapeDtypeStruct((NT, DIM), jnp.float32),
    )(sh, g0, g1, s0, s1)


def kernel(x, gate, w1, w2, w3, ws1, ws2, ws3, expert_bias):
    ob, ib, slen, dim = x.shape
    xf = x.reshape(NT, DIM)

    d0_2d, d1_2d, s0, s1, be_2d, act_2d = _run_router(xf, gate, expert_bias)
    d0 = d0_2d.reshape(NT)
    d1 = d1_2d.reshape(NT)
    be = be_2d.reshape(LANES)[:NBLK]
    act = act_2d.reshape(LANES)[:NBLK]

    xg = _dispatch(xf, d0, d1)

    na = jnp.maximum(jnp.sum(act), 1)
    eo = _run_gmm(be, act, na.reshape(1), xg, w1, w3, w2)

    sh = _run_shared(xf, ws1, ws2, ws3)
    g0, g1 = _collect(eo, d0, d1)

    out = _run_combine(sh, g0, g1, s0, s1)
    return out.reshape(ob, ib, slen, dim)

# --- scband reference (transcript-rebuilt; emitter-appended) ---
"""Pipeline reference for scband-mo-e-73220602462487 (READ-ONLY COPY).

The authoritative reference and input builder live on the scoring server;
editing this copy changes nothing except your own understanding.
"""

import jax, jax.numpy as jnp
import numpy as np

DIM = 1024
HIDDEN = 1024
E = 8
TOP_K = 2
OB, IB, SLEN = 1, 1, 2048
ROUTE_SCALE = 1.0


def setup_inputs(seed: int = 0):
    key = jax.random.key(seed)
    ks = jax.random.split(key, 8)
    x = jax.random.normal(ks[0], (OB, IB, SLEN, DIM), dtype=jnp.float32)
    gate = jax.random.normal(ks[1], (DIM, E), dtype=jnp.float32) * 0.02
    w1 = jax.random.normal(ks[2], (E, HIDDEN, DIM), dtype=jnp.float32) * 0.02
    w2 = jax.random.normal(ks[3], (E, DIM, HIDDEN), dtype=jnp.float32) * 0.02
    w3 = jax.random.normal(ks[4], (E, HIDDEN, DIM), dtype=jnp.float32) * 0.02
    ws1 = jax.random.normal(ks[5], (HIDDEN, DIM), dtype=jnp.float32) * 0.02
    ws2 = jax.random.normal(ks[6], (DIM, HIDDEN), dtype=jnp.float32) * 0.02
    ws3 = jax.random.normal(ks[7], (HIDDEN, DIM), dtype=jnp.float32) * 0.02
    expert_bias = jnp.zeros((E,), dtype=jnp.float32)
    return {"x": x, "gate": gate, "w1": w1, "w2": w2, "w3": w3,
            "ws1": ws1, "ws2": ws2, "ws3": ws3, "expert_bias": expert_bias}


def reference(x, gate, w1, w2, w3, ws1, ws2, ws3, expert_bias):
    ob, ib, slen, dim = x.shape
    xf = x.reshape(ob, ib * slen, dim)
    # TokenChoiceTopKRouter
    scores = jnp.einsum('btd,de->bte', xf, gate)
    scores = jax.nn.sigmoid(scores.astype(jnp.float32))
    biased = scores + expert_bias[None, None, :]
    _, sel_idx = jax.lax.top_k(biased, TOP_K)  # [ob, nt, top_k]
    top_scores = jnp.take_along_axis(scores, sel_idx, axis=2) * ROUTE_SCALE
    one_hot = jax.nn.one_hot(sel_idx, E, dtype=jnp.float32)  # [ob, nt, top_k, E]
    num_tokens_per_expert = one_hot.sum(axis=(1, 2)).astype(jnp.int32)  # batched_histc equivalent
    # combine weights per (token, expert); score applied after experts (score_before_experts=False)
    combine = (one_hot * top_scores[..., None]).sum(axis=2)  # [ob, nt, E]
    # GroupedExperts (dense dispatch; mathematically identical to grouped_mm with offsets)
    xb = xf.astype(jnp.bfloat16)
    h = jax.nn.silu(jnp.einsum('btd,ehd->beth', xb, w1.astype(jnp.bfloat16)))
    h = h * jnp.einsum('btd,ehd->beth', xb, w3.astype(jnp.bfloat16))
    expert_out = jnp.einsum('beth,edh->betd', h, w2.astype(jnp.bfloat16)).astype(x.dtype)
    routed = jnp.einsum('bte,betd->btd', combine, expert_out)
    # Shared expert FeedForward (float32)
    hs = jax.nn.silu(jnp.einsum('btd,hd->bth', xf, ws1)) * jnp.einsum('btd,hd->bth', xf, ws3)
    shared = jnp.einsum('bth,dh->btd', hs, ws2)
    out = routed + shared
    return out.reshape(ob, ib, slen, dim)

if __name__ == "__main__":
    import jax
    _d = setup_inputs()
    print(jax.jit(kernel)(*tuple(_d.values())))

</pallas_src>

<mosaic_0001>
#map = affine_map<(d0, d1) -> (0, 0)>
#map1 = affine_map<(d0, d1) -> (0)>
module attributes {stable_mosaic.version = 14 : i64} {
  func.func @_collect_body(%arg0: i32, %arg1: i32, %arg2: memref<8640x1024xf32, #tpu.memory_space<hbm>>, %arg3: memref<2048xi32, #tpu.memory_space<hbm>>, %arg4: memref<2048xi32, #tpu.memory_space<hbm>>, %arg5: memref<2048x1024xf32, #tpu.memory_space<hbm>>, %arg6: memref<2048x1024xf32, #tpu.memory_space<hbm>>, %arg7: memref<32x1024xf32, #tpu.memory_space<vmem>>, %arg8: memref<32x1024xf32, #tpu.memory_space<vmem>>, %arg9: memref<64xi32, #tpu.memory_space<vmem>>, %arg10: memref<64xi32, #tpu.memory_space<vmem>>, %arg11: memref<!tpu.dma_semaphore, #tpu.memory_space<semaphore_mem>>) attributes {dimension_semantics = [#tpu.dimension_semantics<core_parallel>, #tpu.dimension_semantics<subcore_parallel>], iteration_bounds = array<i64: 2, 16>, scalar_prefetch = 0 : i64, scratch_operands = 5 : i64, tpu.core_type = #tpu.core_type<sc_vector_subcore>, window_params = [{transform_indices = #map}, {transform_indices = #map1}, {transform_indices = #map1}, {transform_indices = #map}, {transform_indices = #map}]} {
    %mul3A = arith.constant 2 : i32
    %mul3A_0 = arith.muli %arg1, %mul3A : i32
    %add3A = arith.addi %mul3A_0, %arg0 : i32
    %mul3A_1 = arith.constant 64 : i32
    %mul3A_2 = arith.muli %add3A, %mul3A_1 : i32
    %dma_start3A = tpu.memref_slice %arg3[%mul3A_2] : memref<2048xi32, #tpu.memory_space<hbm>> -> memref<64xi32, #tpu.memory_space<hbm>>
    %dma_start3A_3 = tpu.memref_slice %arg3[%mul3A_2] : memref<2048xi32, #tpu.memory_space<hbm>> -> memref<64xi32, #tpu.memory_space<hbm>>
    tpu.enqueue_dma source(%dma_start3A_3 : memref<64xi32, #tpu.memory_space<hbm>>) target(%arg9 : memref<64xi32, #tpu.memory_space<vmem>>) target_semaphore(%arg11 : memref<!tpu.dma_semaphore, #tpu.memory_space<semaphore_mem>>)
    %dma_start3A_4 = tpu.memref_slice %arg4[%mul3A_2] : memref<2048xi32, #tpu.memory_space<hbm>> -> memref<64xi32, #tpu.memory_space<hbm>>
    %dma_start3A_5 = tpu.memref_slice %arg4[%mul3A_2] : memref<2048xi32, #tpu.memory_space<hbm>> -> memref<64xi32, #tpu.memory_space<hbm>>
    tpu.enqueue_dma source(%dma_start3A_5 : memref<64xi32, #tpu.memory_space<hbm>>) target(%arg10 : memref<64xi32, #tpu.memory_space<vmem>>) target_semaphore(%arg11 : memref<!tpu.dma_semaphore, #tpu.memory_space<semaphore_mem>>)
    %dma_wait3A = tpu.memref_slice %arg3[%mul3A_2] : memref<2048xi32, #tpu.memory_space<hbm>> -> memref<64xi32, #tpu.memory_space<hbm>>
    %dma_wait3A_6 = tpu.memref_slice %arg3[%mul3A_2] : memref<2048xi32, #tpu.memory_space<hbm>> -> memref<64xi32, #tpu.memory_space<hbm>>
    tpu.wait_dma2 semaphore(%arg11 : memref<!tpu.dma_semaphore, #tpu.memory_space<semaphore_mem>>) src(%dma_wait3A_6 : memref<64xi32, #tpu.memory_space<hbm>>) dst(%arg9 : memref<64xi32, #tpu.memory_space<vmem>>)
    %dma_wait3A_7 = tpu.memref_slice %arg4[%mul3A_2] : memref<2048xi32, #tpu.memory_space<hbm>> -> memref<64xi32, #tpu.memory_space<hbm>>
    %dma_wait3A_8 = tpu.memref_slice %arg4[%mul3A_2] : memref<2048xi32, #tpu.memory_space<hbm>> -> memref<64xi32, #tpu.memory_space<hbm>>
    tpu.wait_dma2 semaphore(%arg11 : memref<!tpu.dma_semaphore, #tpu.memory_space<semaphore_mem>>) src(%dma_wait3A_8 : memref<64xi32, #tpu.memory_space<hbm>>) dst(%arg10 : memref<64xi32, #tpu.memory_space<vmem>>)
    %dma_start3A_9 = arith.constant 0 : i32
    %dma_start3A_10 = tpu.memref_slice %arg9[%dma_start3A_9] : memref<64xi32, #tpu.memory_space<vmem>> -> memref<32xi32, #tpu.memory_space<vmem>>
    %dma_start3A_11 = arith.constant 0 : i32
    %dma_start3A_12 = arith.constant 0 : i32
    %dma_start3A_13 = tpu.memref_slice %arg2[%dma_start3A_11, %dma_start3A_12] : memref<8640x1024xf32, #tpu.memory_space<hbm>> -> memref<8640x1024xf32, #tpu.memory_space<hbm>>
    tpu.enqueue_indirect_dma source(%dma_start3A_13 : memref<8640x1024xf32, #tpu.memory_space<hbm>>) target(%arg7 : memref<32x1024xf32, #tpu.memory_space<vmem>>) offsets(%dma_start3A_10 : memref<32xi32, #tpu.memory_space<vmem>>) semaphore(%arg11 : memref<!tpu.dma_semaphore, #tpu.memory_space<semaphore_mem>>)
    %dma_start3A_14 = arith.constant 0 : i32
    %dma_start3A_15 = tpu.memref_slice %arg10[%dma_start3A_14] : memref<64xi32, #tpu.memory_space<vmem>> -> memref<32xi32, #tpu.memory_space<vmem>>
    %dma_start3A_16 = arith.constant 0 : i32
    %dma_start3A_17 = arith.constant 0 : i32
    %dma_start3A_18 = tpu.memref_slice %arg2[%dma_start3A_16, %dma_start3A_17] : memref<8640x1024xf32, #tpu.memory_space<hbm>> -> memref<8640x1024xf32, #tpu.memory_space<hbm>>
    tpu.enqueue_indirect_dma source(%dma_start3A_18 : memref<8640x1024xf32, #tpu.memory_space<hbm>>) target(%arg8 : memref<32x1024xf32, #tpu.memory_space<vmem>>) offsets(%dma_start3A_15 : memref<32xi32, #tpu.memory_space<vmem>>) semaphore(%arg11 : memref<!tpu.dma_semaphore, #tpu.memory_space<semaphore_mem>>)
    %dma_wait3A_19 = arith.constant 0 : i32
    %dma_wait3A_20 = tpu.memref_slice %arg9[%dma_wait3A_19] : memref<64xi32, #tpu.memory_space<vmem>> -> memref<32xi32, #tpu.memory_space<vmem>>
    %dma_wait3A_21 = arith.constant 0 : i32
    %dma_wait3A_22 = arith.constant 0 : i32
    %dma_wait3A_23 = tpu.memref_slice %arg2[%dma_wait3A_21, %dma_wait3A_22] : memref<8640x1024xf32, #tpu.memory_space<hbm>> -> memref<8640x1024xf32, #tpu.memory_space<hbm>>
    tpu.wait_indirect_dma semaphore(%arg11 : memref<!tpu.dma_semaphore, #tpu.memory_space<semaphore_mem>>) src(%dma_wait3A_23 : memref<8640x1024xf32, #tpu.memory_space<hbm>>) dst(%arg7 : memref<32x1024xf32, #tpu.memory_space<vmem>>)
    %dma_wait3A_24 = arith.constant 0 : i32
    %dma_wait3A_25 = tpu.memref_slice %arg10[%dma_wait3A_24] : memref<64xi32, #tpu.memory_space<vmem>> -> memref<32xi32, #tpu.memory_space<vmem>>
    %dma_wait3A_26 = arith.constant 0 : i32
    %dma_wait3A_27 = arith.constant 0 : i32
    %dma_wait3A_28 = tpu.memref_slice %arg2[%dma_wait3A_26, %dma_wait3A_27] : memref<8640x1024xf32, #tpu.memory_space<hbm>> -> memref<8640x1024xf32, #tpu.memory_space<hbm>>
    tpu.wait_indirect_dma semaphore(%arg11 : memref<!tpu.dma_semaphore, #tpu.memory_space<semaphore_mem>>) src(%dma_wait3A_28 : memref<8640x1024xf32, #tpu.memory_space<hbm>>) dst(%arg8 : memref<32x1024xf32, #tpu.memory_space<vmem>>)
    %add3A_29 = arith.constant 0 : i32
    %add3A_30 = arith.addi %mul3A_2, %add3A_29 : i32
    %dma_start3A_31 = arith.constant 0 : i32
    %dma_start3A_32 = tpu.memref_slice %arg5[%add3A_30, %dma_start3A_31] : memref<2048x1024xf32, #tpu.memory_space<hbm>> -> memref<32x1024xf32, #tpu.memory_space<hbm>>
    %dma_start3A_33 = arith.constant 0 : i32
    %dma_start3A_34 = tpu.memref_slice %arg5[%add3A_30, %dma_start3A_33] : memref<2048x1024xf32, #tpu.memory_space<hbm>> -> memref<32x1024xf32, #tpu.memory_space<hbm>>
    tpu.enqueue_dma source(%arg7 : memref<32x1024xf32, #tpu.memory_space<vmem>>) target(%dma_start3A_34 : memref<32x1024xf32, #tpu.memory_space<hbm>>) target_semaphore(%arg11 : memref<!tpu.dma_semaphore, #tpu.memory_space<semaphore_mem>>)
    %add3A_35 = arith.constant 0 : i32
    %add3A_36 = arith.addi %mul3A_2, %add3A_35 : i32
    %dma_start3A_37 = arith.constant 0 : i32
    %dma_start3A_38 = tpu.memref_slice %arg6[%add3A_36, %dma_start3A_37] : memref<2048x1024xf32, #tpu.memory_space<hbm>> -> memref<32x1024xf32, #tpu.memory_space<hbm>>
    %dma_start3A_39 = arith.constant 0 : i32
    %dma_start3A_40 = tpu.memref_slice %arg6[%add3A_36, %dma_start3A_39] : memref<2048x1024xf32, #tpu.memory_space<hbm>> -> memref<32x1024xf32, #tpu.memory_space<hbm>>
    tpu.enqueue_dma source(%arg8 : memref<32x1024xf32, #tpu.memory_space<vmem>>) target(%dma_start3A_40 : memref<32x1024xf32, #tpu.memory_space<hbm>>) target_semaphore(%arg11 : memref<!tpu.dma_semaphore, #tpu.memory_space<semaphore_mem>>)
    %dma_wait3A_41 = arith.constant 0 : i32
    %dma_wait3A_42 = tpu.memref_slice %arg5[%add3A_30, %dma_wait3A_41] : memref<2048x1024xf32, #tpu.memory_space<hbm>> -> memref<32x1024xf32, #tpu.memory_space<hbm>>
    %dma_wait3A_43 = arith.constant 0 : i32
    %dma_wait3A_44 = tpu.memref_slice %arg5[%add3A_30, %dma_wait3A_43] : memref<2048x1024xf32, #tpu.memory_space<hbm>> -> memref<32x1024xf32, #tpu.memory_space<hbm>>
    tpu.wait_dma2 semaphore(%arg11 : memref<!tpu.dma_semaphore, #tpu.memory_space<semaphore_mem>>) src(%arg7 : memref<32x1024xf32, #tpu.memory_space<vmem>>) dst(%dma_wait3A_44 : memref<32x1024xf32, #tpu.memory_space<hbm>>)
    %dma_wait3A_45 = arith.constant 0 : i32
    %dma_wait3A_46 = tpu.memref_slice %arg6[%add3A_36, %dma_wait3A_45] : memref<2048x1024xf32, #tpu.memory_space<hbm>> -> memref<32x1024xf32, #tpu.memory_space<hbm>>
    %dma_wait3A_47 = arith.constant 0 : i32
    %dma_wait3A_48 = tpu.memref_slice %arg6[%add3A_36, %dma_wait3A_47] : memref<2048x1024xf32, #tpu.memory_space<hbm>> -> memref<32x1024xf32, #tpu.memory_space<hbm>>
    tpu.wait_dma2 semaphore(%arg11 : memref<!tpu.dma_semaphore, #tpu.memory_space<semaphore_mem>>) src(%arg8 : memref<32x1024xf32, #tpu.memory_space<vmem>>) dst(%dma_wait3A_48 : memref<32x1024xf32, #tpu.memory_space<hbm>>)
    %dma_start3A_49 = arith.constant 32 : i32
    %dma_start3A_50 = tpu.memref_slice %arg9[%dma_start3A_49] : memref<64xi32, #tpu.memory_space<vmem>> -> memref<32xi32, #tpu.memory_space<vmem>>
    %dma_start3A_51 = arith.constant 0 : i32
    %dma_start3A_52 = arith.constant 0 : i32
    %dma_start3A_53 = tpu.memref_slice %arg2[%dma_start3A_51, %dma_start3A_52] : memref<8640x1024xf32, #tpu.memory_space<hbm>> -> memref<8640x1024xf32, #tpu.memory_space<hbm>>
    tpu.enqueue_indirect_dma source(%dma_start3A_53 : memref<8640x1024xf32, #tpu.memory_space<hbm>>) target(%arg7 : memref<32x1024xf32, #tpu.memory_space<vmem>>) offsets(%dma_start3A_50 : memref<32xi32, #tpu.memory_space<vmem>>) semaphore(%arg11 : memref<!tpu.dma_semaphore, #tpu.memory_space<semaphore_mem>>)
    %dma_start3A_54 = arith.constant 32 : i32
    %dma_start3A_55 = tpu.memref_slice %arg10[%dma_start3A_54] : memref<64xi32, #tpu.memory_space<vmem>> -> memref<32xi32, #tpu.memory_space<vmem>>
    %dma_start3A_56 = arith.constant 0 : i32
    %dma_start3A_57 = arith.constant 0 : i32
    %dma_start3A_58 = tpu.memref_slice %arg2[%dma_start3A_56, %dma_start3A_57] : memref<8640x1024xf32, #tpu.memory_space<hbm>> -> memref<8640x1024xf32, #tpu.memory_space<hbm>>
    tpu.enqueue_indirect_dma source(%dma_start3A_58 : memref<8640x1024xf32, #tpu.memory_space<hbm>>) target(%arg8 : memref<32x1024xf32, #tpu.memory_space<vmem>>) offsets(%dma_start3A_55 : memref<32xi32, #tpu.memory_space<vmem>>) semaphore(%arg11 : memref<!tpu.dma_semaphore, #tpu.memory_space<semaphore_mem>>)
    %dma_wait3A_59 = arith.constant 32 : i32
    %dma_wait3A_60 = tpu.memref_slice %arg9[%dma_wait3A_59] : memref<64xi32, #tpu.memory_space<vmem>> -> memref<32xi32, #tpu.memory_space<vmem>>
    %dma_wait3A_61 = arith.constant 0 : i32
    %dma_wait3A_62 = arith.constant 0 : i32
    %dma_wait3A_63 = tpu.memref_slice %arg2[%dma_wait3A_61, %dma_wait3A_62] : memref<8640x1024xf32, #tpu.memory_space<hbm>> -> memref<8640x1024xf32, #tpu.memory_space<hbm>>
    tpu.wait_indirect_dma semaphore(%arg11 : memref<!tpu.dma_semaphore, #tpu.memory_space<semaphore_mem>>) src(%dma_wait3A_63 : memref<8640x1024xf32, #tpu.memory_space<hbm>>) dst(%arg7 : memref<32x1024xf32, #tpu.memory_space<vmem>>)
    %dma_wait3A_64 = arith.constant 32 : i32
    %dma_wait3A_65 = tpu.memref_slice %arg10[%dma_wait3A_64] : memref<64xi32, #tpu.memory_space<vmem>> -> memref<32xi32, #tpu.memory_space<vmem>>
    %dma_wait3A_66 = arith.constant 0 : i32
    %dma_wait3A_67 = arith.constant 0 : i32
    %dma_wait3A_68 = tpu.memref_slice %arg2[%dma_wait3A_66, %dma_wait3A_67] : memref<8640x1024xf32, #tpu.memory_space<hbm>> -> memref<8640x1024xf32, #tpu.memory_space<hbm>>
    tpu.wait_indirect_dma semaphore(%arg11 : memref<!tpu.dma_semaphore, #tpu.memory_space<semaphore_mem>>) src(%dma_wait3A_68 : memref<8640x1024xf32, #tpu.memory_space<hbm>>) dst(%arg8 : memref<32x1024xf32, #tpu.memory_space<vmem>>)
    %add3A_69 = arith.constant 32 : i32
    %add3A_70 = arith.addi %mul3A_2, %add3A_69 : i32
    %dma_start3A_71 = arith.constant 0 : i32
    %dma_start3A_72 = tpu.memref_slice %arg5[%add3A_70, %dma_start3A_71] : memref<2048x1024xf32, #tpu.memory_space<hbm>> -> memref<32x1024xf32, #tpu.memory_space<hbm>>
    %dma_start3A_73 = arith.constant 0 : i32
    %dma_start3A_74 = tpu.memref_slice %arg5[%add3A_70, %dma_start3A_73] : memref<2048x1024xf32, #tpu.memory_space<hbm>> -> memref<32x1024xf32, #tpu.memory_space<hbm>>
    tpu.enqueue_dma source(%arg7 : memref<32x1024xf32, #tpu.memory_space<vmem>>) target(%dma_start3A_74 : memref<32x1024xf32, #tpu.memory_space<hbm>>) target_semaphore(%arg11 : memref<!tpu.dma_semaphore, #tpu.memory_space<semaphore_mem>>)
    %add3A_75 = arith.constant 32 : i32
    %add3A_76 = arith.addi %mul3A_2, %add3A_75 : i32
    %dma_start3A_77 = arith.constant 0 : i32
    %dma_start3A_78 = tpu.memref_slice %arg6[%add3A_76, %dma_start3A_77] : memref<2048x1024xf32, #tpu.memory_space<hbm>> -> memref<32x1024xf32, #tpu.memory_space<hbm>>
    %dma_start3A_79 = arith.constant 0 : i32
    %dma_start3A_80 = tpu.memref_slice %arg6[%add3A_76, %dma_start3A_79] : memref<2048x1024xf32, #tpu.memory_space<hbm>> -> memref<32x1024xf32, #tpu.memory_space<hbm>>
    tpu.enqueue_dma source(%arg8 : memref<32x1024xf32, #tpu.memory_space<vmem>>) target(%dma_start3A_80 : memref<32x1024xf32, #tpu.memory_space<hbm>>) target_semaphore(%arg11 : memref<!tpu.dma_semaphore, #tpu.memory_space<semaphore_mem>>)
    %dma_wait3A_81 = arith.constant 0 : i32
    %dma_wait3A_82 = tpu.memref_slice %arg5[%add3A_70, %dma_wait3A_81] : memref<2048x1024xf32, #tpu.memory_space<hbm>> -> memref<32x1024xf32, #tpu.memory_space<hbm>>
    %dma_wait3A_83 = arith.constant 0 : i32
    %dma_wait3A_84 = tpu.memref_slice %arg5[%add3A_70, %dma_wait3A_83] : memref<2048x1024xf32, #tpu.memory_space<hbm>> -> memref<32x1024xf32, #tpu.memory_space<hbm>>
    tpu.wait_dma2 semaphore(%arg11 : memref<!tpu.dma_semaphore, #tpu.memory_space<semaphore_mem>>) src(%arg7 : memref<32x1024xf32, #tpu.memory_space<vmem>>) dst(%dma_wait3A_84 : memref<32x1024xf32, #tpu.memory_space<hbm>>)
    %dma_wait3A_85 = arith.constant 0 : i32
    %dma_wait3A_86 = tpu.memref_slice %arg6[%add3A_76, %dma_wait3A_85] : memref<2048x1024xf32, #tpu.memory_space<hbm>> -> memref<32x1024xf32, #tpu.memory_space<hbm>>
    %dma_wait3A_87 = arith.constant 0 : i32
    %dma_wait3A_88 = tpu.memref_slice %arg6[%add3A_76, %dma_wait3A_87] : memref<2048x1024xf32, #tpu.memory_space<hbm>> -> memref<32x1024xf32, #tpu.memory_space<hbm>>
    tpu.wait_dma2 semaphore(%arg11 : memref<!tpu.dma_semaphore, #tpu.memory_space<semaphore_mem>>) src(%arg8 : memref<32x1024xf32, #tpu.memory_space<vmem>>) dst(%dma_wait3A_88 : memref<32x1024xf32, #tpu.memory_space<hbm>>)
    return
  }
}

#map = affine_map<(d0, d1) -> (0, 0)>
#map1 = affine_map<(d0, d1) -> (0)>
module attributes {stable_mosaic.version = 14 : i64} {
  func.func @_dispatch_body(%arg0: i32, %arg1: i32, %arg2: memref<2048x1024xf32, #tpu.memory_space<hbm>>, %arg3: memref<2048xi32, #tpu.memory_space<hbm>>, %arg4: memref<2048xi32, #tpu.memory_space<hbm>>, %arg5: memref<8640x1024xf32, #tpu.memory_space<hbm>>, %arg6: memref<64x1024xf32, #tpu.memory_space<vmem>>, %arg7: memref<64xi32, #tpu.memory_space<vmem>>, %arg8: memref<64xi32, #tpu.memory_space<vmem>>, %arg9: memref<!tpu.dma_semaphore, #tpu.memory_space<semaphore_mem>>) attributes {dimension_semantics = [#tpu.dimension_semantics<core_parallel>, #tpu.dimension_semantics<subcore_parallel>], iteration_bounds = array<i64: 2, 16>, scalar_prefetch = 0 : i64, scratch_operands = 4 : i64, tpu.core_type = #tpu.core_type<sc_vector_subcore>, window_params = [{transform_indices = #map}, {transform_indices = #map1}, {transform_indices = #map1}, {transform_indices = #map}]} {
    %mul3A = arith.constant 2 : i32
    %mul3A_0 = arith.muli %arg1, %mul3A : i32
    %add3A = arith.addi %mul3A_0, %arg0 : i32
    %mul3A_1 = arith.constant 64 : i32
    %mul3A_2 = arith.muli %add3A, %mul3A_1 : i32
    %dma_start3A = tpu.memref_slice %arg3[%mul3A_2] : memref<2048xi32, #tpu.memory_space<hbm>> -> memref<64xi32, #tpu.memory_space<hbm>>
    %dma_start3A_3 = tpu.memref_slice %arg3[%mul3A_2] : memref<2048xi32, #tpu.memory_space<hbm>> -> memref<64xi32, #tpu.memory_space<hbm>>
    tpu.enqueue_dma source(%dma_start3A_3 : memref<64xi32, #tpu.memory_space<hbm>>) target(%arg7 : memref<64xi32, #tpu.memory_space<vmem>>) target_semaphore(%arg9 : memref<!tpu.dma_semaphore, #tpu.memory_space<semaphore_mem>>)
    %dma_start3A_4 = tpu.memref_slice %arg4[%mul3A_2] : memref<2048xi32, #tpu.memory_space<hbm>> -> memref<64xi32, #tpu.memory_space<hbm>>
    %dma_start3A_5 = tpu.memref_slice %arg4[%mul3A_2] : memref<2048xi32, #tpu.memory_space<hbm>> -> memref<64xi32, #tpu.memory_space<hbm>>
    tpu.enqueue_dma source(%dma_start3A_5 : memref<64xi32, #tpu.memory_space<hbm>>) target(%arg8 : memref<64xi32, #tpu.memory_space<vmem>>) target_semaphore(%arg9 : memref<!tpu.dma_semaphore, #tpu.memory_space<semaphore_mem>>)
    %dma_start3A_6 = arith.constant 0 : i32
    %dma_start3A_7 = tpu.memref_slice %arg2[%mul3A_2, %dma_start3A_6] : memref<2048x1024xf32, #tpu.memory_space<hbm>> -> memref<64x1024xf32, #tpu.memory_space<hbm>>
    %dma_start3A_8 = arith.constant 0 : i32
    %dma_start3A_9 = tpu.memref_slice %arg2[%mul3A_2, %dma_start3A_8] : memref<2048x1024xf32, #tpu.memory_space<hbm>> -> memref<64x1024xf32, #tpu.memory_space<hbm>>
    tpu.enqueue_dma source(%dma_start3A_9 : memref<64x1024xf32, #tpu.memory_space<hbm>>) target(%arg6 : memref<64x1024xf32, #tpu.memory_space<vmem>>) target_semaphore(%arg9 : memref<!tpu.dma_semaphore, #tpu.memory_space<semaphore_mem>>)
    %dma_wait3A = tpu.memref_slice %arg3[%mul3A_2] : memref<2048xi32, #tpu.memory_space<hbm>> -> memref<64xi32, #tpu.memory_space<hbm>>
    %dma_wait3A_10 = tpu.memref_slice %arg3[%mul3A_2] : memref<2048xi32, #tpu.memory_space<hbm>> -> memref<64xi32, #tpu.memory_space<hbm>>
    tpu.wait_dma2 semaphore(%arg9 : memref<!tpu.dma_semaphore, #tpu.memory_space<semaphore_mem>>) src(%dma_wait3A_10 : memref<64xi32, #tpu.memory_space<hbm>>) dst(%arg7 : memref<64xi32, #tpu.memory_space<vmem>>)
    %dma_wait3A_11 = tpu.memref_slice %arg4[%mul3A_2] : memref<2048xi32, #tpu.memory_space<hbm>> -> memref<64xi32, #tpu.memory_space<hbm>>
    %dma_wait3A_12 = tpu.memref_slice %arg4[%mul3A_2] : memref<2048xi32, #tpu.memory_space<hbm>> -> memref<64xi32, #tpu.memory_space<hbm>>
    tpu.wait_dma2 semaphore(%arg9 : memref<!tpu.dma_semaphore, #tpu.memory_space<semaphore_mem>>) src(%dma_wait3A_12 : memref<64xi32, #tpu.memory_space<hbm>>) dst(%arg8 : memref<64xi32, #tpu.memory_space<vmem>>)
    %dma_wait3A_13 = arith.constant 0 : i32
    %dma_wait3A_14 = tpu.memref_slice %arg2[%mul3A_2, %dma_wait3A_13] : memref<2048x1024xf32, #tpu.memory_space<hbm>> -> memref<64x1024xf32, #tpu.memory_space<hbm>>
    %dma_wait3A_15 = arith.constant 0 : i32
    %dma_wait3A_16 = tpu.memref_slice %arg2[%mul3A_2, %dma_wait3A_15] : memref<2048x1024xf32, #tpu.memory_space<hbm>> -> memref<64x1024xf32, #tpu.memory_space<hbm>>
    tpu.wait_dma2 semaphore(%arg9 : memref<!tpu.dma_semaphore, #tpu.memory_space<semaphore_mem>>) src(%dma_wait3A_16 : memref<64x1024xf32, #tpu.memory_space<hbm>>) dst(%arg6 : memref<64x1024xf32, #tpu.memory_space<vmem>>)
    %dma_start3A_17 = arith.constant 0 : i32
    %dma_start3A_18 = arith.constant 0 : i32
    %dma_start3A_19 = tpu.memref_slice %arg5[%dma_start3A_17, %dma_start3A_18] : memref<8640x1024xf32, #tpu.memory_space<hbm>> -> memref<8640x1024xf32, #tpu.memory_space<hbm>>
    tpu.enqueue_indirect_dma source(%arg6 : memref<64x1024xf32, #tpu.memory_space<vmem>>) target(%dma_start3A_19 : memref<8640x1024xf32, #tpu.memory_space<hbm>>) offsets(%arg7 : memref<64xi32, #tpu.memory_space<vmem>>) semaphore(%arg9 : memref<!tpu.dma_semaphore, #tpu.memory_space<semaphore_mem>>)
    %dma_start3A_20 = arith.constant 0 : i32
    %dma_start3A_21 = arith.constant 0 : i32
    %dma_start3A_22 = tpu.memref_slice %arg5[%dma_start3A_20, %dma_start3A_21] : memref<8640x1024xf32, #tpu.memory_space<hbm>> -> memref<8640x1024xf32, #tpu.memory_space<hbm>>
    tpu.enqueue_indirect_dma source(%arg6 : memref<64x1024xf32, #tpu.memory_space<vmem>>) target(%dma_start3A_22 : memref<8640x1024xf32, #tpu.memory_space<hbm>>) offsets(%arg8 : memref<64xi32, #tpu.memory_space<vmem>>) semaphore(%arg9 : memref<!tpu.dma_semaphore, #tpu.memory_space<semaphore_mem>>)
    %dma_wait3A_23 = arith.constant 0 : i32
    %dma_wait3A_24 = arith.constant 0 : i32
    %dma_wait3A_25 = tpu.memref_slice %arg5[%dma_wait3A_23, %dma_wait3A_24] : memref<8640x1024xf32, #tpu.memory_space<hbm>> -> memref<8640x1024xf32, #tpu.memory_space<hbm>>
    tpu.wait_indirect_dma semaphore(%arg9 : memref<!tpu.dma_semaphore, #tpu.memory_space<semaphore_mem>>) src(%arg6 : memref<64x1024xf32, #tpu.memory_space<vmem>>) dst(%dma_wait3A_25 : memref<8640x1024xf32, #tpu.memory_space<hbm>>)
    %dma_wait3A_26 = arith.constant 0 : i32
    %dma_wait3A_27 = arith.constant 0 : i32
    %dma_wait3A_28 = tpu.memref_slice %arg5[%dma_wait3A_26, %dma_wait3A_27] : memref<8640x1024xf32, #tpu.memory_space<hbm>> -> memref<8640x1024xf32, #tpu.memory_space<hbm>>
    tpu.wait_indirect_dma semaphore(%arg9 : memref<!tpu.dma_semaphore, #tpu.memory_space<semaphore_mem>>) src(%arg6 : memref<64x1024xf32, #tpu.memory_space<vmem>>) dst(%dma_wait3A_28 : memref<8640x1024xf32, #tpu.memory_space<hbm>>)
    return
  }
}

module attributes {stable_mosaic.version = 14 : i64} {
  func.func @_router_body(%arg0: i32, %arg1: memref<2048x1024xf32, #tpu.memory_space<vmem>>, %arg2: memref<1024x8xf32, #tpu.memory_space<vmem>>, %arg3: memref<1x8xf32, #tpu.memory_space<vmem>>, %arg4: memref<2048x1xi32, #tpu.memory_space<vmem>>, %arg5: memref<2048x1xi32, #tpu.memory_space<vmem>>, %arg6: memref<2048x1xf32, #tpu.memory_space<vmem>>, %arg7: memref<2048x1xf32, #tpu.memory_space<vmem>>, %arg8: memref<128x1xi32, #tpu.memory_space<vmem>>, %arg9: memref<128x1xi32, #tpu.memory_space<vmem>>) attributes {dimension_semantics = [#tpu.dimension_semantics<arbitrary>], iteration_bounds = array<i64: 1>, scalar_prefetch = 0 : i64, scratch_operands = 0 : i64, tpu.core_type = #tpu.core_type<tc>, window_params = [{pipeline_mode = #tpu.pipeline_mode<synchronous>, transform_indices = @transform_0, window_bounds = array<i64: 2048, 1024>}, {pipeline_mode = #tpu.pipeline_mode<synchronous>, transform_indices = @transform_1, window_bounds = array<i64: 1024, 8>}, {pipeline_mode = #tpu.pipeline_mode<synchronous>, transform_indices = @transform_2, window_bounds = array<i64: 1, 8>}, {pipeline_mode = #tpu.pipeline_mode<synchronous>, transform_indices = @transform_3, window_bounds = array<i64: 2048, 1>}, {pipeline_mode = #tpu.pipeline_mode<synchronous>, transform_indices = @transform_4, window_bounds = array<i64: 2048, 1>}, {pipeline_mode = #tpu.pipeline_mode<synchronous>, transform_indices = @transform_5, window_bounds = array<i64: 2048, 1>}, {pipeline_mode = #tpu.pipeline_mode<synchronous>, transform_indices = @transform_6, window_bounds = array<i64: 2048, 1>}, {pipeline_mode = #tpu.pipeline_mode<synchronous>, transform_indices = @transform_7, window_bounds = array<i64: 128, 1>}, {pipeline_mode = #tpu.pipeline_mode<synchronous>, transform_indices = @transform_8, window_bounds = array<i64: 128, 1>}]} {
    %get3A = arith.constant 0 : index
    %get3A_0 = arith.constant 0 : index
    %get3A_1 = vector.load %arg1[%get3A, %get3A_0] : memref<2048x1024xf32, #tpu.memory_space<vmem>>, vector<2048x1024xf32>
    %get3A_2 = arith.constant 0 : index
    %get3A_3 = arith.constant 0 : index
    %get3A_4 = vector.load %arg2[%get3A_2, %get3A_3] : memref<1024x8xf32, #tpu.memory_space<vmem>>, vector<1024x8xf32>
    %dot_general3A = arith.constant dense<0.000000e+00> : vector<2048x8xf32>
    %dot_general3A_5 = tpu.matmul %get3A_1, %get3A_4, %dot_general3A {dimension_numbers = #tpu.dot_dimension_numbers<[1], [0], [0], [1], [0, 0, 1, 1], [], []>, transpose_lhs_hint = false} : vector<2048x1024xf32>, vector<1024x8xf32>, vector<2048x8xf32> -> vector<2048x8xf32>
    %logistic3A = arith.negf %dot_general3A_5 : vector<2048x8xf32>
    %logistic3A_6 = math.exp %logistic3A : vector<2048x8xf32>
    %logistic3A_7 = arith.constant 1.000000e+00 : f32
    %logistic3A_8 = vector.broadcast %logistic3A_7 : f32 to vector<2048x8xf32>
    %logistic3A_9 = arith.addf %logistic3A_8, %logistic3A_6 : vector<2048x8xf32>
    %logistic3A_10 = arith.divf %logistic3A_8, %logistic3A_9 : vector<2048x8xf32>
    %iota3A = tpu.iota {dimensions = array<i32: 1>} : vector<2048x8xi32>
    %get3A_11 = arith.constant 0 : index
    %get3A_12 = arith.constant 0 : index
    %get3A_13 = vector.load %arg3[%get3A_11, %get3A_12] : memref<1x8xf32, #tpu.memory_space<vmem>>, vector<1x8xf32>
    %get3A_14 = vector.shape_cast %get3A_13 : vector<1x8xf32> to vector<8xf32>
    %broadcast_in_dim3A = vector.shape_cast %get3A_14 : vector<8xf32> to vector<1x8xf32>
    %add3A = vector.broadcast %broadcast_in_dim3A : vector<1x8xf32> to vector<2048x8xf32>
    %add3A_15 = arith.addf %logistic3A_10, %add3A : vector<2048x8xf32>
    %reduce_max3A = arith.constant dense<0xFF800000> : vector<2048xf32>
    %reduce_max3A_16 = vector.multi_reduction <maximumf>, %add3A_15, %reduce_max3A [1] : vector<2048x8xf32> to vector<2048xf32>
    %broadcast_in_dim3A_17 = vector.shape_cast %reduce_max3A_16 : vector<2048xf32> to vector<2048x1xf32>
    %eq3A = vector.broadcast %broadcast_in_dim3A_17 : vector<2048x1xf32> to vector<2048x8xf32>
    %eq3A_18 = arith.cmpf oeq, %add3A_15, %eq3A : vector<2048x8xf32>
    %jit3A = arith.constant 8 : i32
    %broadcast_in_dim3A_19 = vector.broadcast %jit3A : i32 to vector<2048x8xi32>
    %select_n3A = arith.select %eq3A_18, %iota3A, %broadcast_in_dim3A_19 : vector<2048x8xi1>, vector<2048x8xi32>
    %reduce_min3A = arith.constant dense<2147483647> : vector<2048xi32>
    %reduce_min3A_20 = vector.multi_reduction <minsi>, %select_n3A, %reduce_min3A [1] : vector<2048x8xi32> to vector<2048xi32>
    %broadcast_in_dim3A_21 = vector.shape_cast %reduce_min3A_20 : vector<2048xi32> to vector<2048x1xi32>
    %eq3A_22 = vector.broadcast %broadcast_in_dim3A_21 : vector<2048x1xi32> to vector<2048x8xi32>
    %eq3A_23 = arith.cmpi eq, %iota3A, %eq3A_22 : vector<2048x8xi32>
    %jit3A_24 = arith.constant 0xFF800000 : f32
    %broadcast_in_dim3A_25 = vector.broadcast %jit3A_24 : f32 to vector<2048x8xf32>
    %select_n3A_26 = arith.select %eq3A_23, %broadcast_in_dim3A_25, %add3A_15 : vector<2048x8xi1>, vector<2048x8xf32>
    %reduce_max3A_27 = arith.constant dense<0xFF800000> : vector<2048xf32>
    %reduce_max3A_28 = vector.multi_reduction <maximumf>, %select_n3A_26, %reduce_max3A_27 [1] : vector<2048x8xf32> to vector<2048xf32>
    %broadcast_in_dim3A_29 = vector.shape_cast %reduce_max3A_28 : vector<2048xf32> to vector<2048x1xf32>
    %eq3A_30 = vector.broadcast %broadcast_in_dim3A_29 : vector<2048x1xf32> to vector<2048x8xf32>
    %eq3A_31 = arith.cmpf oeq, %select_n3A_26, %eq3A_30 : vector<2048x8xf32>
    %jit3A_32 = arith.constant 8 : i32
    %broadcast_in_dim3A_33 = vector.broadcast %jit3A_32 : i32 to vector<2048x8xi32>
    %select_n3A_34 = arith.select %eq3A_31, %iota3A, %broadcast_in_dim3A_33 : vector<2048x8xi1>, vector<2048x8xi32>
    %reduce_min3A_35 = arith.constant dense<2147483647> : vector<2048xi32>
    %reduce_min3A_36 = vector.multi_reduction <minsi>, %select_n3A_34, %reduce_min3A_35 [1] : vector<2048x8xi32> to vector<2048xi32>
    %broadcast_in_dim3A_37 = vector.shape_cast %reduce_min3A_36 : vector<2048xi32> to vector<2048x1xi32>
    %eq3A_38 = vector.broadcast %broadcast_in_dim3A_37 : vector<2048x1xi32> to vector<2048x8xi32>
    %eq3A_39 = arith.cmpi eq, %iota3A, %eq3A_38 : vector<2048x8xi32>
    %jit3A_40 = arith.constant 0.000000e+00 : f32
    %broadcast_in_dim3A_41 = vector.broadcast %jit3A_40 : f32 to vector<2048x8xf32>
    %select_n3A_42 = arith.select %eq3A_23, %logistic3A_10, %broadcast_in_dim3A_41 : vector<2048x8xi1>, vector<2048x8xf32>
    %reduce_sum3A = arith.constant dense<0.000000e+00> : vector<2048xf32>
    %reduce_sum3A_43 = vector.multi_reduction <add>, %select_n3A_42, %reduce_sum3A [1] : vector<2048x8xf32> to vector<2048xf32>
    %broadcast_in_dim3A_44 = vector.shape_cast %reduce_sum3A_43 : vector<2048xf32> to vector<2048x1xf32>
    %swap3A = arith.constant 0 : index
    %swap3A_45 = arith.constant 0 : index
    %swap3A_46 = vector.load %arg6[%swap3A, %swap3A_45] : memref<2048x1xf32, #tpu.memory_space<vmem>>, vector<2048x1xf32>
    tpu.vector_store %arg6[%swap3A, %swap3A_45], %broadcast_in_dim3A_44 {strides = array<i32>} : memref<2048x1xf32, #tpu.memory_space<vmem>>, vector<2048x1xf32>,
    %jit3A_47 = arith.constant 0.000000e+00 : f32
    %broadcast_in_dim3A_48 = vector.broadcast %jit3A_47 : f32 to vector<2048x8xf32>
    %select_n3A_49 = arith.select %eq3A_39, %logistic3A_10, %broadcast_in_dim3A_48 : vector<2048x8xi1>, vector<2048x8xf32>
    %reduce_sum3A_50 = arith.constant dense<0.000000e+00> : vector<2048xf32>
    %reduce_sum3A_51 = vector.multi_reduction <add>, %select_n3A_49, %reduce_sum3A_50 [1] : vector<2048x8xf32> to vector<2048xf32>
    %broadcast_in_dim3A_52 = vector.shape_cast %reduce_sum3A_51 : vector<2048xf32> to vector<2048x1xf32>
    %swap3A_53 = arith.constant 0 : index
    %swap3A_54 = arith.constant 0 : index
    %swap3A_55 = vector.load %arg7[%swap3A_53, %swap3A_54] : memref<2048x1xf32, #tpu.memory_space<vmem>>, vector<2048x1xf32>
    tpu.vector_store %arg7[%swap3A_53, %swap3A_54], %broadcast_in_dim3A_52 {strides = array<i32>} : memref<2048x1xf32, #tpu.memory_space<vmem>>, vector<2048x1xf32>,
    %or3A = arith.ori %eq3A_23, %eq3A_39 : vector<2048x8xi1>
    %jit3A_56 = arith.constant 1.000000e+00 : f32
    %jit3A_57 = arith.constant 0.000000e+00 : f32
    %broadcast_in_dim3A_58 = vector.broadcast %jit3A_56 : f32 to vector<2048x8xf32>
    %broadcast_in_dim3A_59 = vector.broadcast %jit3A_57 : f32 to vector<2048x8xf32>
    %select_n3A_60 = arith.select %or3A, %broadcast_in_dim3A_58, %broadcast_in_dim3A_59 : vector<2048x8xi1>, vector<2048x8xf32>
    %iota3A_61 = tpu.iota {dimensions = array<i32: 0>} : vector<128x128xi32>
    %iota3A_62 = tpu.iota {dimensions = array<i32: 1>} : vector<128x128xi32>
    %lt3A = arith.cmpi slt, %iota3A_62, %iota3A_61 : vector<128x128xi32>
    %jit3A_63 = arith.constant 1.000000e+00 : f32
    %jit3A_64 = arith.constant 0.000000e+00 : f32
    %broadcast_in_dim3A_65 = vector.broadcast %jit3A_63 : f32 to vector<128x128xf32>
    %broadcast_in_dim3A_66 = vector.broadcast %jit3A_64 : f32 to vector<128x128xf32>
    %select_n3A_67 = arith.select %lt3A, %broadcast_in_dim3A_65, %broadcast_in_dim3A_66 : vector<128x128xi1>, vector<128x128xf32>
    %broadcast_in_dim3A_68 = arith.constant 0.000000e+00 : f32
    %broadcast_in_dim3A_69 = vector.broadcast %broadcast_in_dim3A_68 : f32 to vector<1x8xf32>
    %slice3A = vector.extract_strided_slice %select_n3A_60 {offsets = [0, 0], sizes = [128, 8], strides = [1, 1]} : vector<2048x8xf32> to vector<128x8xf32>
    %dot_general3A_70 = arith.constant dense<0.000000e+00> : vector<128x8xf32>
    %dot_general3A_71 = tpu.matmul %select_n3A_67, %slice3A, %dot_general3A_70 {dimension_numbers = #tpu.dot_dimension_numbers<[1], [0], [0], [1], [0, 0, 1, 1], [], []>, transpose_lhs_hint = false} : vector<128x128xf32>, vector<128x8xf32>, vector<128x8xf32> -> vector<128x8xf32>
    %add3A_72 = vector.broadcast %broadcast_in_dim3A_69 : vector<1x8xf32> to vector<128x8xf32>
    %add3A_73 = arith.addf %dot_general3A_71, %add3A_72 : vector<128x8xf32>
    %reduce_sum3A_74 = arith.constant dense<0.000000e+00> : vector<8xf32>
    %reduce_sum3A_75 = vector.multi_reduction <add>, %slice3A, %reduce_sum3A_74 [0] : vector<128x8xf32> to vector<8xf32>
    %broadcast_in_dim3A_76 = vector.shape_cast %reduce_sum3A_75 : vector<8xf32> to vector<1x8xf32>
    %add3A_77 = arith.addf %broadcast_in_dim3A_69, %broadcast_in_dim3A_76 : vector<1x8xf32>
    %slice3A_78 = vector.extract_strided_slice %select_n3A_60 {offsets = [128, 0], sizes = [128, 8], strides = [1, 1]} : vector<2048x8xf32> to vector<128x8xf32>
    %dot_general3A_79 = arith.constant dense<0.000000e+00> : vector<128x8xf32>
    %dot_general3A_80 = tpu.matmul %select_n3A_67, %slice3A_78, %dot_general3A_79 {dimension_numbers = #tpu.dot_dimension_numbers<[1], [0], [0], [1], [0, 0, 1, 1], [], []>, transpose_lhs_hint = false} : vector<128x128xf32>, vector<128x8xf32>, vector<128x8xf32> -> vector<128x8xf32>
    %add3A_81 = vector.broadcast %add3A_77 : vector<1x8xf32> to vector<128x8xf32>
    %add3A_82 = arith.addf %dot_general3A_80, %add3A_81 : vector<128x8xf32>
    %reduce_sum3A_83 = arith.constant dense<0.000000e+00> : vector<8xf32>
    %reduce_sum3A_84 = vector.multi_reduction <add>, %slice3A_78, %reduce_sum3A_83 [0] : vector<128x8xf32> to vector<8xf32>
    %broadcast_in_dim3A_85 = vector.shape_cast %reduce_sum3A_84 : vector<8xf32> to vector<1x8xf32>
    %add3A_86 = arith.addf %add3A_77, %broadcast_in_dim3A_85 : vector<1x8xf32>
    %slice3A_87 = vector.extract_strided_slice %select_n3A_60 {offsets = [256, 0], sizes = [128, 8], strides = [1, 1]} : vector<2048x8xf32> to vector<128x8xf32>
    %dot_general3A_88 = arith.constant dense<0.000000e+00> : vector<128x8xf32>
    %dot_general3A_89 = tpu.matmul %select_n3A_67, %slice3A_87, %dot_general3A_88 {dimension_numbers = #tpu.dot_dimension_numbers<[1], [0], [0], [1], [0, 0, 1, 1], [], []>, transpose_lhs_hint = false} : vector<128x128xf32>, vector<128x8xf32>, vector<128x8xf32> -> vector<128x8xf32>
    %add3A_90 = vector.broadcast %add3A_86 : vector<1x8xf32> to vector<128x8xf32>
    %add3A_91 = arith.addf %dot_general3A_89, %add3A_90 : vector<128x8xf32>
    %reduce_sum3A_92 = arith.constant dense<0.000000e+00> : vector<8xf32>
    %reduce_sum3A_93 = vector.multi_reduction <add>, %slice3A_87, %reduce_sum3A_92 [0] : vector<128x8xf32> to vector<8xf32>
    %broadcast_in_dim3A_94 = vector.shape_cast %reduce_sum3A_93 : vector<8xf32> to vector<1x8xf32>
    %add3A_95 = arith.addf %add3A_86, %broadcast_in_dim3A_94 : vector<1x8xf32>
    %slice3A_96 = vector.extract_strided_slice %select_n3A_60 {offsets = [384, 0], sizes = [128, 8], strides = [1, 1]} : vector<2048x8xf32> to vector<128x8xf32>
    %dot_general3A_97 = arith.constant dense<0.000000e+00> : vector<128x8xf32>
    %dot_general3A_98 = tpu.matmul %select_n3A_67, %slice3A_96, %dot_general3A_97 {dimension_numbers = #tpu.dot_dimension_numbers<[1], [0], [0], [1], [0, 0, 1, 1], [], []>, transpose_lhs_hint = false} : vector<128x128xf32>, vector<128x8xf32>, vector<128x8xf32> -> vector<128x8xf32>
    %add3A_99 = vector.broadcast %add3A_95 : vector<1x8xf32> to vector<128x8xf32>
    %add3A_100 = arith.addf %dot_general3A_98, %add3A_99 : vector<128x8xf32>
    %reduce_sum3A_101 = arith.constant dense<0.000000e+00> : vector<8xf32>
    %reduce_sum3A_102 = vector.multi_reduction <add>, %slice3A_96, %reduce_sum3A_101 [0] : vector<128x8xf32> to vector<8xf32>
    %broadcast_in_dim3A_103 = vector.shape_cast %reduce_sum3A_102 : vector<8xf32> to vector<1x8xf32>
    %add3A_104 = arith.addf %add3A_95, %broadcast_in_dim3A_103 : vector<1x8xf32>
    %slice3A_105 = vector.extract_strided_slice %select_n3A_60 {offsets = [512, 0], sizes = [128, 8], strides = [1, 1]} : vector<2048x8xf32> to vector<128x8xf32>
    %dot_general3A_106 = arith.constant dense<0.000000e+00> : vector<128x8xf32>
    %dot_general3A_107 = tpu.matmul %select_n3A_67, %slice3A_105, %dot_general3A_106 {dimension_numbers = #tpu.dot_dimension_numbers<[1], [0], [0], [1], [0, 0, 1, 1], [], []>, transpose_lhs_hint = false} : vector<128x128xf32>, vector<128x8xf32>, vector<128x8xf32> -> vector<128x8xf32>
    %add3A_108 = vector.broadcast %add3A_104 : vector<1x8xf32> to vector<128x8xf32>
    %add3A_109 = arith.addf %dot_general3A_107, %add3A_108 : vector<128x8xf32>
    %reduce_sum3A_110 = arith.constant dense<0.000000e+00> : vector<8xf32>
    %reduce_sum3A_111 = vector.multi_reduction <add>, %slice3A_105, %reduce_sum3A_110 [0] : vector<128x8xf32> to vector<8xf32>
    %broadcast_in_dim3A_112 = vector.shape_cast %reduce_sum3A_111 : vector<8xf32> to vector<1x8xf32>
    %add3A_113 = arith.addf %add3A_104, %broadcast_in_dim3A_112 : vector<1x8xf32>
    %slice3A_114 = vector.extract_strided_slice %select_n3A_60 {offsets = [640, 0], sizes = [128, 8], strides = [1, 1]} : vector<2048x8xf32> to vector<128x8xf32>
    %dot_general3A_115 = arith.constant dense<0.000000e+00> : vector<128x8xf32>
    %dot_general3A_116 = tpu.matmul %select_n3A_67, %slice3A_114, %dot_general3A_115 {dimension_numbers = #tpu.dot_dimension_numbers<[1], [0], [0], [1], [0, 0, 1, 1], [], []>, transpose_lhs_hint = false} : vector<128x128xf32>, vector<128x8xf32>, vector<128x8xf32> -> vector<128x8xf32>
    %add3A_117 = vector.broadcast %add3A_113 : vector<1x8xf32> to vector<128x8xf32>
    %add3A_118 = arith.addf %dot_general3A_116, %add3A_117 : vector<128x8xf32>
    %reduce_sum3A_119 = arith.constant dense<0.000000e+00> : vector<8xf32>
    %reduce_sum3A_120 = vector.multi_reduction <add>, %slice3A_114, %reduce_sum3A_119 [0] : vector<128x8xf32> to vector<8xf32>
    %broadcast_in_dim3A_121 = vector.shape_cast %reduce_sum3A_120 : vector<8xf32> to vector<1x8xf32>
    %add3A_122 = arith.addf %add3A_113, %broadcast_in_dim3A_121 : vector<1x8xf32>
    %slice3A_123 = vector.extract_strided_slice %select_n3A_60 {offsets = [768, 0], sizes = [128, 8], strides = [1, 1]} : vector<2048x8xf32> to vector<128x8xf32>
    %dot_general3A_124 = arith.constant dense<0.000000e+00> : vector<128x8xf32>
    %dot_general3A_125 = tpu.matmul %select_n3A_67, %slice3A_123, %dot_general3A_124 {dimension_numbers = #tpu.dot_dimension_numbers<[1], [0], [0], [1], [0, 0, 1, 1], [], []>, transpose_lhs_hint = false} : vector<128x128xf32>, vector<128x8xf32>, vector<128x8xf32> -> vector<128x8xf32>
    %add3A_126 = vector.broadcast %add3A_122 : vector<1x8xf32> to vector<128x8xf32>
    %add3A_127 = arith.addf %dot_general3A_125, %add3A_126 : vector<128x8xf32>
    %reduce_sum3A_128 = arith.constant dense<0.000000e+00> : vector<8xf32>
    %reduce_sum3A_129 = vector.multi_reduction <add>, %slice3A_123, %reduce_sum3A_128 [0] : vector<128x8xf32> to vector<8xf32>
    %broadcast_in_dim3A_130 = vector.shape_cast %reduce_sum3A_129 : vector<8xf32> to vector<1x8xf32>
    %add3A_131 = arith.addf %add3A_122, %broadcast_in_dim3A_130 : vector<1x8xf32>
    %slice3A_132 = vector.extract_strided_slice %select_n3A_60 {offsets = [896, 0], sizes = [128, 8], strides = [1, 1]} : vector<2048x8xf32> to vector<128x8xf32>
    %dot_general3A_133 = arith.constant dense<0.000000e+00> : vector<128x8xf32>
    %dot_general3A_134 = tpu.matmul %select_n3A_67, %slice3A_132, %dot_general3A_133 {dimension_numbers = #tpu.dot_dimension_numbers<[1], [0], [0], [1], [0, 0, 1, 1], [], []>, transpose_lhs_hint = false} : vector<128x128xf32>, vector<128x8xf32>, vector<128x8xf32> -> vector<128x8xf32>
    %add3A_135 = vector.broadcast %add3A_131 : vector<1x8xf32> to vector<128x8xf32>
    %add3A_136 = arith.addf %dot_general3A_134, %add3A_135 : vector<128x8xf32>
    %reduce_sum3A_137 = arith.constant dense<0.000000e+00> : vector<8xf32>
    %reduce_sum3A_138 = vector.multi_reduction <add>, %slice3A_132, %reduce_sum3A_137 [0] : vector<128x8xf32> to vector<8xf32>
    %broadcast_in_dim3A_139 = vector.shape_cast %reduce_sum3A_138 : vector<8xf32> to vector<1x8xf32>
    %add3A_140 = arith.addf %add3A_131, %broadcast_in_dim3A_139 : vector<1x8xf32>
    %slice3A_141 = vector.extract_strided_slice %select_n3A_60 {offsets = [1024, 0], sizes = [128, 8], strides = [1, 1]} : vector<2048x8xf32> to vector<128x8xf32>
    %dot_general3A_142 = arith.constant dense<0.000000e+00> : vector<128x8xf32>
    %dot_general3A_143 = tpu.matmul %select_n3A_67, %slice3A_141, %dot_general3A_142 {dimension_numbers = #tpu.dot_dimension_numbers<[1], [0], [0], [1], [0, 0, 1, 1], [], []>, transpose_lhs_hint = false} : vector<128x128xf32>, vector<128x8xf32>, vector<128x8xf32> -> vector<128x8xf32>
    %add3A_144 = vector.broadcast %add3A_140 : vector<1x8xf32> to vector<128x8xf32>
    %add3A_145 = arith.addf %dot_general3A_143, %add3A_144 : vector<128x8xf32>
    %reduce_sum3A_146 = arith.constant dense<0.000000e+00> : vector<8xf32>
    %reduce_sum3A_147 = vector.multi_reduction <add>, %slice3A_141, %reduce_sum3A_146 [0] : vector<128x8xf32> to vector<8xf32>
    %broadcast_in_dim3A_148 = vector.shape_cast %reduce_sum3A_147 : vector<8xf32> to vector<1x8xf32>
    %add3A_149 = arith.addf %add3A_140, %broadcast_in_dim3A_148 : vector<1x8xf32>
    %slice3A_150 = vector.extract_strided_slice %select_n3A_60 {offsets = [1152, 0], sizes = [128, 8], strides = [1, 1]} : vector<2048x8xf32> to vector<128x8xf32>
    %dot_general3A_151 = arith.constant dense<0.000000e+00> : vector<128x8xf32>
    %dot_general3A_152 = tpu.matmul %select_n3A_67, %slice3A_150, %dot_general3A_151 {dimension_numbers = #tpu.dot_dimension_numbers<[1], [0], [0], [1], [0, 0, 1, 1], [], []>, transpose_lhs_hint = false} : vector<128x128xf32>, vector<128x8xf32>, vector<128x8xf32> -> vector<128x8xf32>
    %add3A_153 = vector.broadcast %add3A_149 : vector<1x8xf32> to vector<128x8xf32>
    %add3A_154 = arith.addf %dot_general3A_152, %add3A_153 : vector<128x8xf32>
    %reduce_sum3A_155 = arith.constant dense<0.000000e+00> : vector<8xf32>
    %reduce_sum3A_156 = vector.multi_reduction <add>, %slice3A_150, %reduce_sum3A_155 [0] : vector<128x8xf32> to vector<8xf32>
    %broadcast_in_dim3A_157 = vector.shape_cast %reduce_sum3A_156 : vector<8xf32> to vector<1x8xf32>
    %add3A_158 = arith.addf %add3A_149, %broadcast_in_dim3A_157 : vector<1x8xf32>
    %slice3A_159 = vector.extract_strided_slice %select_n3A_60 {offsets = [1280, 0], sizes = [128, 8], strides = [1, 1]} : vector<2048x8xf32> to vector<128x8xf32>
    %dot_general3A_160 = arith.constant dense<0.000000e+00> : vector<128x8xf32>
    %dot_general3A_161 = tpu.matmul %select_n3A_67, %slice3A_159, %dot_general3A_160 {dimension_numbers = #tpu.dot_dimension_numbers<[1], [0], [0], [1], [0, 0, 1, 1], [], []>, transpose_lhs_hint = false} : vector<128x128xf32>, vector<128x8xf32>, vector<128x8xf32> -> vector<128x8xf32>
    %add3A_162 = vector.broadcast %add3A_158 : vector<1x8xf32> to vector<128x8xf32>
    %add3A_163 = arith.addf %dot_general3A_161, %add3A_162 : vector<128x8xf32>
    %reduce_sum3A_164 = arith.constant dense<0.000000e+00> : vector<8xf32>
    %reduce_sum3A_165 = vector.multi_reduction <add>, %slice3A_159, %reduce_sum3A_164 [0] : vector<128x8xf32> to vector<8xf32>
    %broadcast_in_dim3A_166 = vector.shape_cast %reduce_sum3A_165 : vector<8xf32> to vector<1x8xf32>
    %add3A_167 = arith.addf %add3A_158, %broadcast_in_dim3A_166 : vector<1x8xf32>
    %slice3A_168 = vector.extract_strided_slice %select_n3A_60 {offsets = [1408, 0], sizes = [128, 8], strides = [1, 1]} : vector<2048x8xf32> to vector<128x8xf32>
    %dot_general3A_169 = arith.constant dense<0.000000e+00> : vector<128x8xf32>
    %dot_general3A_170 = tpu.matmul %select_n3A_67, %slice3A_168, %dot_general3A_169 {dimension_numbers = #tpu.dot_dimension_numbers<[1], [0], [0], [1], [0, 0, 1, 1], [], []>, transpose_lhs_hint = false} : vector<128x128xf32>, vector<128x8xf32>, vector<128x8xf32> -> vector<128x8xf32>
    %add3A_171 = vector.broadcast %add3A_167 : vector<1x8xf32> to vector<128x8xf32>
    %add3A_172 = arith.addf %dot_general3A_170, %add3A_171 : vector<128x8xf32>
    %reduce_sum3A_173 = arith.constant dense<0.000000e+00> : vector<8xf32>
    %reduce_sum3A_174 = vector.multi_reduction <add>, %slice3A_168, %reduce_sum3A_173 [0] : vector<128x8xf32> to vector<8xf32>
    %broadcast_in_dim3A_175 = vector.shape_cast %reduce_sum3A_174 : vector<8xf32> to vector<1x8xf32>
    %add3A_176 = arith.addf %add3A_167, %broadcast_in_dim3A_175 : vector<1x8xf32>
    %slice3A_177 = vector.extract_strided_slice %select_n3A_60 {offsets = [1536, 0], sizes = [128, 8], strides = [1, 1]} : vector<2048x8xf32> to vector<128x8xf32>
    %dot_general3A_178 = arith.constant dense<0.000000e+00> : vector<128x8xf32>
    %dot_general3A_179 = tpu.matmul %select_n3A_67, %slice3A_177, %dot_general3A_178 {dimension_numbers = #tpu.dot_dimension_numbers<[1], [0], [0], [1], [0, 0, 1, 1], [], []>, transpose_lhs_hint = false} : vector<128x128xf32>, vector<128x8xf32>, vector<128x8xf32> -> vector<128x8xf32>
    %add3A_180 = vector.broadcast %add3A_176 : vector<1x8xf32> to vector<128x8xf32>
    %add3A_181 = arith.addf %dot_general3A_179, %add3A_180 : vector<128x8xf32>
    %reduce_sum3A_182 = arith.constant dense<0.000000e+00> : vector<8xf32>
    %reduce_sum3A_183 = vector.multi_reduction <add>, %slice3A_177, %reduce_sum3A_182 [0] : vector<128x8xf32> to vector<8xf32>
    %broadcast_in_dim3A_184 = vector.shape_cast %reduce_sum3A_183 : vector<8xf32> to vector<1x8xf32>
    %add3A_185 = arith.addf %add3A_176, %broadcast_in_dim3A_184 : vector<1x8xf32>
    %slice3A_186 = vector.extract_strided_slice %select_n3A_60 {offsets = [1664, 0], sizes = [128, 8], strides = [1, 1]} : vector<2048x8xf32> to vector<128x8xf32>
    %dot_general3A_187 = arith.constant dense<0.000000e+00> : vector<128x8xf32>
    %dot_general3A_188 = tpu.matmul %select_n3A_67, %slice3A_186, %dot_general3A_187 {dimension_numbers = #tpu.dot_dimension_numbers<[1], [0], [0], [1], [0, 0, 1, 1], [], []>, transpose_lhs_hint = false} : vector<128x128xf32>, vector<128x8xf32>, vector<128x8xf32> -> vector<128x8xf32>
    %add3A_189 = vector.broadcast %add3A_185 : vector<1x8xf32> to vector<128x8xf32>
    %add3A_190 = arith.addf %dot_general3A_188, %add3A_189 : vector<128x8xf32>
    %reduce_sum3A_191 = arith.constant dense<0.000000e+00> : vector<8xf32>
    %reduce_sum3A_192 = vector.multi_reduction <add>, %slice3A_186, %reduce_sum3A_191 [0] : vector<128x8xf32> to vector<8xf32>
    %broadcast_in_dim3A_193 = vector.shape_cast %reduce_sum3A_192 : vector<8xf32> to vector<1x8xf32>
    %add3A_194 = arith.addf %add3A_185, %broadcast_in_dim3A_193 : vector<1x8xf32>
    %slice3A_195 = vector.extract_strided_slice %select_n3A_60 {offsets = [1792, 0], sizes = [128, 8], strides = [1, 1]} : vector<2048x8xf32> to vector<128x8xf32>
    %dot_general3A_196 = arith.constant dense<0.000000e+00> : vector<128x8xf32>
    %dot_general3A_197 = tpu.matmul %select_n3A_67, %slice3A_195, %dot_general3A_196 {dimension_numbers = #tpu.dot_dimension_numbers<[1], [0], [0], [1], [0, 0, 1, 1], [], []>, transpose_lhs_hint = false} : vector<128x128xf32>, vector<128x8xf32>, vector<128x8xf32> -> vector<128x8xf32>
    %add3A_198 = vector.broadcast %add3A_194 : vector<1x8xf32> to vector<128x8xf32>
    %add3A_199 = arith.addf %dot_general3A_197, %add3A_198 : vector<128x8xf32>
    %reduce_sum3A_200 = arith.constant dense<0.000000e+00> : vector<8xf32>
    %reduce_sum3A_201 = vector.multi_reduction <add>, %slice3A_195, %reduce_sum3A_200 [0] : vector<128x8xf32> to vector<8xf32>
    %broadcast_in_dim3A_202 = vector.shape_cast %reduce_sum3A_201 : vector<8xf32> to vector<1x8xf32>
    %add3A_203 = arith.addf %add3A_194, %broadcast_in_dim3A_202 : vector<1x8xf32>
    %slice3A_204 = vector.extract_strided_slice %select_n3A_60 {offsets = [1920, 0], sizes = [128, 8], strides = [1, 1]} : vector<2048x8xf32> to vector<128x8xf32>
    %dot_general3A_205 = arith.constant dense<0.000000e+00> : vector<128x8xf32>
    %dot_general3A_206 = tpu.matmul %select_n3A_67, %slice3A_204, %dot_general3A_205 {dimension_numbers = #tpu.dot_dimension_numbers<[1], [0], [0], [1], [0, 0, 1, 1], [], []>, transpose_lhs_hint = false} : vector<128x128xf32>, vector<128x8xf32>, vector<128x8xf32> -> vector<128x8xf32>
    %add3A_207 = vector.broadcast %add3A_203 : vector<1x8xf32> to vector<128x8xf32>
    %add3A_208 = arith.addf %dot_general3A_206, %add3A_207 : vector<128x8xf32>
    %reduce_sum3A_209 = arith.constant dense<0.000000e+00> : vector<8xf32>
    %reduce_sum3A_210 = vector.multi_reduction <add>, %slice3A_204, %reduce_sum3A_209 [0] : vector<128x8xf32> to vector<8xf32>
    %broadcast_in_dim3A_211 = vector.shape_cast %reduce_sum3A_210 : vector<8xf32> to vector<1x8xf32>
    %add3A_212 = arith.addf %add3A_203, %broadcast_in_dim3A_211 : vector<1x8xf32>
    %concatenate3A = tpu.concatenate %add3A_73, %add3A_82, %add3A_91, %add3A_100, %add3A_109, %add3A_118, %add3A_127, %add3A_136, %add3A_145, %add3A_154, %add3A_163, %add3A_172, %add3A_181, %add3A_190, %add3A_199, %add3A_208 in 0 : vector<128x8xf32>, vector<128x8xf32>, vector<128x8xf32>, vector<128x8xf32>, vector<128x8xf32>, vector<128x8xf32>, vector<128x8xf32>, vector<128x8xf32>, vector<128x8xf32>, vector<128x8xf32>, vector<128x8xf32>, vector<128x8xf32>, vector<128x8xf32>, vector<128x8xf32>, vector<128x8xf32>, vector<128x8xf32> -> vector<2048x8xf32>
    %add3A_213 = arith.constant 5.750000e+02 : f32
    %add3A_214 = vector.broadcast %add3A_213 : f32 to vector<1x8xf32>
    %add3A_215 = arith.addf %add3A_212, %add3A_214 : vector<1x8xf32>
    %mul3A = arith.constant 0.00173611112 : f32
    %mul3A_216 = vector.broadcast %mul3A : f32 to vector<1x8xf32>
    %mul3A_217 = arith.mulf %add3A_215, %mul3A_216 : vector<1x8xf32>
    %floor3A = math.floor %mul3A_217 : vector<1x8xf32>
    %mul3A_218 = arith.constant 5.760000e+02 : f32
    %mul3A_219 = vector.broadcast %mul3A_218 : f32 to vector<1x8xf32>
    %mul3A_220 = arith.mulf %floor3A, %mul3A_219 : vector<1x8xf32>
    %iota3A_221 = tpu.iota {dimensions = array<i32: 0>} : vector<8x8xi32>
    %iota3A_222 = tpu.iota {dimensions = array<i32: 1>} : vector<8x8xi32>
    %lt3A_223 = arith.cmpi slt, %iota3A_221, %iota3A_222 : vector<8x8xi32>
    %jit3A_224 = arith.constant 1.000000e+00 : f32
    %jit3A_225 = arith.constant 0.000000e+00 : f32
    %broadcast_in_dim3A_226 = vector.broadcast %jit3A_224 : f32 to vector<8x8xf32>
    %broadcast_in_dim3A_227 = vector.broadcast %jit3A_225 : f32 to vector<8x8xf32>
    %select_n3A_228 = arith.select %lt3A_223, %broadcast_in_dim3A_226, %broadcast_in_dim3A_227 : vector<8x8xi1>, vector<8x8xf32>
    %dot_general3A_229 = arith.constant dense<0.000000e+00> : vector<1x8xf32>
    %dot_general3A_230 = tpu.matmul %mul3A_220, %select_n3A_228, %dot_general3A_229 {dimension_numbers = #tpu.dot_dimension_numbers<[1], [0], [0], [1], [0, 0, 1, 1], [], []>, transpose_lhs_hint = false} : vector<1x8xf32>, vector<8x8xf32>, vector<1x8xf32> -> vector<1x8xf32>
    %add3A_231 = vector.broadcast %dot_general3A_230 : vector<1x8xf32> to vector<2048x8xf32>
    %add3A_232 = arith.addf %add3A_231, %concatenate3A : vector<2048x8xf32>
    %jit3A_233 = arith.constant 0.000000e+00 : f32
    %broadcast_in_dim3A_234 = vector.broadcast %jit3A_233 : f32 to vector<2048x8xf32>
    %select_n3A_235 = arith.select %eq3A_23, %add3A_232, %broadcast_in_dim3A_234 : vector<2048x8xi1>, vector<2048x8xf32>
    %reduce_sum3A_236 = arith.constant dense<0.000000e+00> : vector<2048xf32>
    %reduce_sum3A_237 = vector.multi_reduction <add>, %select_n3A_235, %reduce_sum3A_236 [1] : vector<2048x8xf32> to vector<2048xf32>
    %broadcast_in_dim3A_238 = vector.shape_cast %reduce_sum3A_237 : vector<2048xf32> to vector<2048x1xf32>
    %convert_element_type3A = arith.fptosi %broadcast_in_dim3A_238 : vector<2048x1xf32> to vector<2048x1xi32>
    %swap3A_239 = arith.constant 0 : index
    %swap3A_240 = arith.constant 0 : index
    %swap3A_241 = vector.load %arg4[%swap3A_239, %swap3A_240] : memref<2048x1xi32, #tpu.memory_space<vmem>>, vector<2048x1xi32>
    tpu.vector_store %arg4[%swap3A_239, %swap3A_240], %convert_element_type3A {strides = array<i32>} : memref<2048x1xi32, #tpu.memory_space<vmem>>, vector<2048x1xi32>,
    %jit3A_242 = arith.constant 0.000000e+00 : f32
    %broadcast_in_dim3A_243 = vector.broadcast %jit3A_242 : f32 to vector<2048x8xf32>
    %select_n3A_244 = arith.select %eq3A_39, %add3A_232, %broadcast_in_dim3A_243 : vector<2048x8xi1>, vector<2048x8xf32>
    %reduce_sum3A_245 = arith.constant dense<0.000000e+00> : vector<2048xf32>
    %reduce_sum3A_246 = vector.multi_reduction <add>, %select_n3A_244, %reduce_sum3A_245 [1] : vector<2048x8xf32> to vector<2048xf32>
    %broadcast_in_dim3A_247 = vector.shape_cast %reduce_sum3A_246 : vector<2048xf32> to vector<2048x1xf32>
    %convert_element_type3A_248 = arith.fptosi %broadcast_in_dim3A_247 : vector<2048x1xf32> to vector<2048x1xi32>
    %swap3A_249 = arith.constant 0 : index
    %swap3A_250 = arith.constant 0 : index
    %swap3A_251 = vector.load %arg5[%swap3A_249, %swap3A_250] : memref<2048x1xi32, #tpu.memory_space<vmem>>, vector<2048x1xi32>
    tpu.vector_store %arg5[%swap3A_249, %swap3A_250], %convert_element_type3A_248 {strides = array<i32>} : memref<2048x1xi32, #tpu.memory_space<vmem>>, vector<2048x1xi32>,
    %add3A_252 = arith.addf %dot_general3A_230, %mul3A_220 : vector<1x8xf32>
    %iota3A_253 = tpu.iota {dimensions = array<i32: 0>} : vector<128x1xi32>
    %convert_element_type3A_254 = arith.sitofp %iota3A_253 : vector<128x1xi32> to vector<128x1xf32>
    %mul3A_255 = arith.constant 0.00173611112 : f32
    %mul3A_256 = vector.broadcast %mul3A_255 : f32 to vector<1x8xf32>
    %mul3A_257 = arith.mulf %add3A_252, %mul3A_256 : vector<1x8xf32>
    %le3A = vector.broadcast %mul3A_257 : vector<1x8xf32> to vector<128x8xf32>
    %le3A_258 = vector.broadcast %convert_element_type3A_254 : vector<128x1xf32> to vector<128x8xf32>
    %le3A_259 = arith.cmpf ole, %le3A, %le3A_258 : vector<128x8xf32>
    %jit3A_260 = arith.constant 1.000000e+00 : f32
    %jit3A_261 = arith.constant 0.000000e+00 : f32
    %broadcast_in_dim3A_262 = vector.broadcast %jit3A_260 : f32 to vector<128x8xf32>
    %broadcast_in_dim3A_263 = vector.broadcast %jit3A_261 : f32 to vector<128x8xf32>
    %select_n3A_264 = arith.select %le3A_259, %broadcast_in_dim3A_262, %broadcast_in_dim3A_263 : vector<128x8xi1>, vector<128x8xf32>
    %reduce_sum3A_265 = arith.constant dense<0.000000e+00> : vector<128xf32>
    %reduce_sum3A_266 = vector.multi_reduction <add>, %select_n3A_264, %reduce_sum3A_265 [1] : vector<128x8xf32> to vector<128xf32>
    %broadcast_in_dim3A_267 = vector.shape_cast %reduce_sum3A_266 : vector<128xf32> to vector<128x1xf32>
    %min3A = arith.constant 7.000000e+00 : f32
    %min3A_268 = vector.broadcast %min3A : f32 to vector<128x1xf32>
    %min3A_269 = arith.minimumf %broadcast_in_dim3A_267, %min3A_268 : vector<128x1xf32>
    %convert_element_type3A_270 = arith.fptosi %min3A_269 : vector<128x1xf32> to vector<128x1xi32>
    %swap3A_271 = arith.constant 0 : index
    %swap3A_272 = arith.constant 0 : index
    %swap3A_273 = vector.load %arg8[%swap3A_271, %swap3A_272] : memref<128x1xi32, #tpu.memory_space<vmem>>, vector<128x1xi32>
    tpu.vector_store %arg8[%swap3A_271, %swap3A_272], %convert_element_type3A_270 {strides = array<i32>} : memref<128x1xi32, #tpu.memory_space<vmem>>, vector<128x1xi32>,
    %reduce_sum3A_274 = arith.constant dense<0.000000e+00> : vector<1xf32>
    %reduce_sum3A_275 = vector.multi_reduction <add>, %mul3A_220, %reduce_sum3A_274 [1] : vector<1x8xf32> to vector<1xf32>
    %broadcast_in_dim3A_276 = vector.shape_cast %reduce_sum3A_275 : vector<1xf32> to vector<1x1xf32>
    %mul3A_277 = arith.constant 5.760000e+02 : f32
    %mul3A_278 = vector.broadcast %mul3A_277 : f32 to vector<128x1xf32>
    %mul3A_279 = arith.mulf %convert_element_type3A_254, %mul3A_278 : vector<128x1xf32>
    %lt3A_280 = vector.broadcast %broadcast_in_dim3A_276 : vector<1x1xf32> to vector<128x1xf32>
    %lt3A_281 = arith.cmpf olt, %mul3A_279, %lt3A_280 : vector<128x1xf32>
    %jit3A_282 = arith.constant 1 : i32
    %jit3A_283 = arith.constant 0 : i32
    %broadcast_in_dim3A_284 = vector.broadcast %jit3A_282 : i32 to vector<128x1xi32>
    %broadcast_in_dim3A_285 = vector.broadcast %jit3A_283 : i32 to vector<128x1xi32>
    %select_n3A_286 = arith.select %lt3A_281, %broadcast_in_dim3A_284, %broadcast_in_dim3A_285 : vector<128x1xi1>, vector<128x1xi32>
    %swap3A_287 = arith.constant 0 : index
    %swap3A_288 = arith.constant 0 : index
    %swap3A_289 = vector.load %arg9[%swap3A_287, %swap3A_288] : memref<128x1xi32, #tpu.memory_space<vmem>>, vector<128x1xi32>
    tpu.vector_store %arg9[%swap3A_287, %swap3A_288], %select_n3A_286 {strides = array<i32>} : memref<128x1xi32, #tpu.memory_space<vmem>>, vector<128x1xi32>,
    return
  }
  func.func @transform_0(%arg0: i32) -> (i32, i32) {
    %c0_i32 = arith.constant 0 : i32
    %c0_i32_0 = arith.constant 0 : i32
    %c0_i32_1 = arith.constant 0 : i32
    return %c0_i32, %c0_i32_0 : i32, i32
  }
  func.func @transform_1(%arg0: i32) -> (i32, i32) {
    %c0_i32 = arith.constant 0 : i32
    %c0_i32_0 = arith.constant 0 : i32
    %c0_i32_1 = arith.constant 0 : i32
    return %c0_i32, %c0_i32_0 : i32, i32
  }
  func.func @transform_2(%arg0: i32) -> (i32, i32) {
    %c0_i32 = arith.constant 0 : i32
    %c0_i32_0 = arith.constant 0 : i32
    %c0_i32_1 = arith.constant 0 : i32
    return %c0_i32, %c0_i32_0 : i32, i32
  }
  func.func @transform_3(%arg0: i32) -> (i32, i32) {
    %c0_i32 = arith.constant 0 : i32
    %c0_i32_0 = arith.constant 0 : i32
    %c0_i32_1 = arith.constant 0 : i32
    return %c0_i32, %c0_i32_0 : i32, i32
  }
  func.func @transform_4(%arg0: i32) -> (i32, i32) {
    %c0_i32 = arith.constant 0 : i32
    %c0_i32_0 = arith.constant 0 : i32
    %c0_i32_1 = arith.constant 0 : i32
    return %c0_i32, %c0_i32_0 : i32, i32
  }
  func.func @transform_5(%arg0: i32) -> (i32, i32) {
    %c0_i32 = arith.constant 0 : i32
    %c0_i32_0 = arith.constant 0 : i32
    %c0_i32_1 = arith.constant 0 : i32
    return %c0_i32, %c0_i32_0 : i32, i32
  }
  func.func @transform_6(%arg0: i32) -> (i32, i32) {
    %c0_i32 = arith.constant 0 : i32
    %c0_i32_0 = arith.constant 0 : i32
    %c0_i32_1 = arith.constant 0 : i32
    return %c0_i32, %c0_i32_0 : i32, i32
  }
  func.func @transform_7(%arg0: i32) -> (i32, i32) {
    %c0_i32 = arith.constant 0 : i32
    %c0_i32_0 = arith.constant 0 : i32
    %c0_i32_1 = arith.constant 0 : i32
    return %c0_i32, %c0_i32_0 : i32, i32
  }
  func.func @transform_8(%arg0: i32) -> (i32, i32) {
    %c0_i32 = arith.constant 0 : i32
    %c0_i32_0 = arith.constant 0 : i32
    %c0_i32_1 = arith.constant 0 : i32
    return %c0_i32, %c0_i32_0 : i32, i32
  }
}

module attributes {stable_mosaic.version = 14 : i64} {
  func.func @_gmm_body(%arg0: i32, %arg1: memref<15xi32, #tpu.memory_space<smem>>, %arg2: memref<15xi32, #tpu.memory_space<smem>>, %arg3: memref<1xi32, #tpu.memory_space<smem>>, %arg4: memref<576x1024xf32, #tpu.memory_space<vmem>>, %arg5: memref<1x1024x1024xf32, #tpu.memory_space<vmem>>, %arg6: memref<1x1024x1024xf32, #tpu.memory_space<vmem>>, %arg7: memref<1x1024x1024xf32, #tpu.memory_space<vmem>>, %arg8: memref<576x1024xf32, #tpu.memory_space<vmem>>, %arg9: memref<1024x1024xbf16, #tpu.memory_space<vmem>>, %arg10: memref<1024x1024xbf16, #tpu.memory_space<vmem>>, %arg11: memref<1024x1024xbf16, #tpu.memory_space<vmem>>) attributes {dimension_semantics = [#tpu.dimension_semantics<arbitrary>], iteration_bounds = array<i64: 15>, scalar_prefetch = 3 : i64, scratch_operands = 3 : i64, tpu.core_type = #tpu.core_type<tc>, window_params = [{transform_indices = @transform_0, window_bounds = array<i64: 576, 1024>}, {transform_indices = @transform_1, window_bounds = array<i64: 1, 1024, 1024>}, {transform_indices = @transform_2, window_bounds = array<i64: 1, 1024, 1024>}, {transform_indices = @transform_3, window_bounds = array<i64: 1, 1024, 1024>}, {transform_indices = @transform_4, window_bounds = array<i64: 576, 1024>}]} {
    %sub3A = arith.constant 1 : i32
    %sub3A_0 = arith.subi %arg0, %sub3A : i32
    %max3A = arith.constant 0 : i32
    %max3A_1 = arith.maxsi %sub3A_0, %max3A : i32
    %get3A = arith.index_cast %max3A_1 : i32 to index
    %get3A_2 = memref.load %arg1[%get3A] : memref<15xi32, #tpu.memory_space<smem>>
    %eq3A = arith.constant 0 : i32
    %eq3A_3 = arith.cmpi eq, %arg0, %eq3A : i32
    %get3A_4 = arith.index_cast %arg0 : i32 to index
    %get3A_5 = memref.load %arg1[%get3A_4] : memref<15xi32, #tpu.memory_space<smem>>
    %ne3A = arith.cmpi ne, %get3A_5, %get3A_2 : i32
    %or3A = arith.ori %eq3A_3, %ne3A : i1
    %get3A_6 = arith.index_cast %arg0 : i32 to index
    %get3A_7 = memref.load %arg2[%get3A_6] : memref<15xi32, #tpu.memory_space<smem>>
    %eq3A_8 = arith.constant 1 : i32
    %eq3A_9 = arith.cmpi eq, %get3A_7, %eq3A_8 : i32
    %and3A = arith.andi %eq3A_9, %or3A : i1
    %convert_element_type3A = arith.extui %and3A : i1 to i32
    %cond3A = arith.constant 0 : i32
    %cond3A_10 = arith.cmpi ne, %convert_element_type3A, %cond3A : i32
    scf.if %cond3A_10 {
      %get3A_18 = arith.constant 0 : index
      %get3A_19 = arith.constant 0 : index
      %get3A_20 = arith.constant 0 : index
      %get3A_21 = vector.load %arg5[%get3A_18, %get3A_19, %get3A_20] : memref<1x1024x1024xf32, #tpu.memory_space<vmem>>, vector<1x1024x1024xf32>
      %get3A_22 = vector.shape_cast %get3A_21 : vector<1x1024x1024xf32> to vector<1024x1024xf32>
      %convert_element_type3A_23 = arith.truncf %get3A_22 : vector<1024x1024xf32> to vector<1024x1024xbf16>
      %swap3A = arith.constant 0 : index
      %swap3A_24 = arith.constant 0 : index
      %swap3A_25 = vector.load %arg9[%swap3A, %swap3A_24] : memref<1024x1024xbf16, #tpu.memory_space<vmem>>, vector<1024x1024xbf16>
      tpu.vector_store %arg9[%swap3A, %swap3A_24], %convert_element_type3A_23 {strides = array<i32>} : memref<1024x1024xbf16, #tpu.memory_space<vmem>>, vector<1024x1024xbf16>,
      %get3A_26 = arith.constant 0 : index
      %get3A_27 = arith.constant 0 : index
      %get3A_28 = arith.constant 0 : index
      %get3A_29 = vector.load %arg6[%get3A_26, %get3A_27, %get3A_28] : memref<1x1024x1024xf32, #tpu.memory_space<vmem>>, vector<1x1024x1024xf32>
      %get3A_30 = vector.shape_cast %get3A_29 : vector<1x1024x1024xf32> to vector<1024x1024xf32>
      %convert_element_type3A_31 = arith.truncf %get3A_30 : vector<1024x1024xf32> to vector<1024x1024xbf16>
      %swap3A_32 = arith.constant 0 : index
      %swap3A_33 = arith.constant 0 : index
      %swap3A_34 = vector.load %arg10[%swap3A_32, %swap3A_33] : memref<1024x1024xbf16, #tpu.memory_space<vmem>>, vector<1024x1024xbf16>
      tpu.vector_store %arg10[%swap3A_32, %swap3A_33], %convert_element_type3A_31 {strides = array<i32>} : memref<1024x1024xbf16, #tpu.memory_space<vmem>>, vector<1024x1024xbf16>,
      %get3A_35 = arith.constant 0 : index
      %get3A_36 = arith.constant 0 : index
      %get3A_37 = arith.constant 0 : index
      %get3A_38 = vector.load %arg7[%get3A_35, %get3A_36, %get3A_37] : memref<1x1024x1024xf32, #tpu.memory_space<vmem>>, vector<1x1024x1024xf32>
      %get3A_39 = vector.shape_cast %get3A_38 : vector<1x1024x1024xf32> to vector<1024x1024xf32>
      %convert_element_type3A_40 = arith.truncf %get3A_39 : vector<1024x1024xf32> to vector<1024x1024xbf16>
      %swap3A_41 = arith.constant 0 : index
      %swap3A_42 = arith.constant 0 : index
      %swap3A_43 = vector.load %arg11[%swap3A_41, %swap3A_42] : memref<1024x1024xbf16, #tpu.memory_space<vmem>>, vector<1024x1024xbf16>
      tpu.vector_store %arg11[%swap3A_41, %swap3A_42], %convert_element_type3A_40 {strides = array<i32>} : memref<1024x1024xbf16, #tpu.memory_space<vmem>>, vector<1024x1024xbf16>,
    } else {
    }
    %get3A_11 = arith.index_cast %arg0 : i32 to index
    %get3A_12 = memref.load %arg2[%get3A_11] : memref<15xi32, #tpu.memory_space<smem>>
    %eq3A_13 = arith.constant 1 : i32
    %eq3A_14 = arith.cmpi eq, %get3A_12, %eq3A_13 : i32
    %convert_element_type3A_15 = arith.extui %eq3A_14 : i1 to i32
    %cond3A_16 = arith.constant 0 : i32
    %cond3A_17 = arith.cmpi ne, %convert_element_type3A_15, %cond3A_16 : i32
    scf.if %cond3A_17 {
      %get3A_18 = arith.constant 0 : index
      %get3A_19 = arith.constant 0 : index
      %get3A_20 = vector.load %arg4[%get3A_18, %get3A_19] : memref<576x1024xf32, #tpu.memory_space<vmem>>, vector<576x1024xf32>
      %convert_element_type3A_21 = arith.truncf %get3A_20 : vector<576x1024xf32> to vector<576x1024xbf16>
      %get3A_22 = arith.constant 0 : index
      %get3A_23 = arith.constant 0 : index
      %get3A_24 = vector.load %arg9[%get3A_22, %get3A_23] : memref<1024x1024xbf16, #tpu.memory_space<vmem>>, vector<1024x1024xbf16>
      %dot_general3A = arith.constant dense<0.000000e+00> : vector<576x1024xf32>
      %dot_general3A_25 = tpu.matmul %convert_element_type3A_21, %get3A_24, %dot_general3A {dimension_numbers = #tpu.dot_dimension_numbers<[1], [1], [0], [0], [0, 0, 1, 0], [], []>, transpose_lhs_hint = false} : vector<576x1024xbf16>, vector<1024x1024xbf16>, vector<576x1024xf32> -> vector<576x1024xf32>
      %get3A_26 = arith.constant 0 : index
      %get3A_27 = arith.constant 0 : index
      %get3A_28 = vector.load %arg10[%get3A_26, %get3A_27] : memref<1024x1024xbf16, #tpu.memory_space<vmem>>, vector<1024x1024xbf16>
      %dot_general3A_29 = arith.constant dense<0.000000e+00> : vector<576x1024xf32>
      %dot_general3A_30 = tpu.matmul %convert_element_type3A_21, %get3A_28, %dot_general3A_29 {dimension_numbers = #tpu.dot_dimension_numbers<[1], [1], [0], [0], [0, 0, 1, 0], [], []>, transpose_lhs_hint = false} : vector<576x1024xbf16>, vector<1024x1024xbf16>, vector<576x1024xf32> -> vector<576x1024xf32>
      %logistic3A = arith.negf %dot_general3A_25 : vector<576x1024xf32>
      %logistic3A_31 = math.exp %logistic3A : vector<576x1024xf32>
      %logistic3A_32 = arith.constant 1.000000e+00 : f32
      %logistic3A_33 = vector.broadcast %logistic3A_32 : f32 to vector<576x1024xf32>
      %logistic3A_34 = arith.addf %logistic3A_33, %logistic3A_31 : vector<576x1024xf32>
      %logistic3A_35 = arith.divf %logistic3A_33, %logistic3A_34 : vector<576x1024xf32>
      %mul3A = arith.mulf %dot_general3A_25, %logistic3A_35 : vector<576x1024xf32>
      %mul3A_36 = arith.mulf %mul3A, %dot_general3A_30 : vector<576x1024xf32>
      %convert_element_type3A_37 = arith.truncf %mul3A_36 : vector<576x1024xf32> to vector<576x1024xbf16>
      %get3A_38 = arith.constant 0 : index
      %get3A_39 = arith.constant 0 : index
      %get3A_40 = vector.load %arg11[%get3A_38, %get3A_39] : memref<1024x1024xbf16, #tpu.memory_space<vmem>>, vector<1024x1024xbf16>
      %dot_general3A_41 = arith.constant dense<0.000000e+00> : vector<576x1024xf32>
      %dot_general3A_42 = tpu.matmul %convert_element_type3A_37, %get3A_40, %dot_general3A_41 {dimension_numbers = #tpu.dot_dimension_numbers<[1], [1], [0], [0], [0, 0, 1, 0], [], []>, transpose_lhs_hint = false} : vector<576x1024xbf16>, vector<1024x1024xbf16>, vector<576x1024xf32> -> vector<576x1024xf32>
      %swap3A = arith.constant 0 : index
      %swap3A_43 = arith.constant 0 : index
      %swap3A_44 = vector.load %arg8[%swap3A, %swap3A_43] : memref<576x1024xf32, #tpu.memory_space<vmem>>, vector<576x1024xf32>
      tpu.vector_store %arg8[%swap3A, %swap3A_43], %dot_general3A_42 {strides = array<i32>} : memref<576x1024xf32, #tpu.memory_space<vmem>>, vector<576x1024xf32>,
    } else {
    }
    return
  }
  func.func @transform_0(%arg0: i32, %arg1: memref<15xi32, #tpu.memory_space<smem>>, %arg2: memref<15xi32, #tpu.memory_space<smem>>, %arg3: memref<1xi32, #tpu.memory_space<smem>>) -> (i32, i32) {
    %get3A = arith.constant 0 : index
    %get3A_0 = memref.load %arg3[%get3A] : memref<1xi32, #tpu.memory_space<smem>>
    %sub3A = arith.constant 1 : i32
    %sub3A_1 = arith.subi %get3A_0, %sub3A : i32
    %min3A = arith.minsi %arg0, %sub3A_1 : i32
    %c0_i32 = arith.constant 0 : i32
    %c0_i32_2 = arith.constant 0 : i32
    return %min3A, %c0_i32 : i32, i32
  }
  func.func @transform_1(%arg0: i32, %arg1: memref<15xi32, #tpu.memory_space<smem>>, %arg2: memref<15xi32, #tpu.memory_space<smem>>, %arg3: memref<1xi32, #tpu.memory_space<smem>>) -> (i32, i32, i32) {
    %get3A = arith.index_cast %arg0 : i32 to index
    %get3A_0 = memref.load %arg1[%get3A] : memref<15xi32, #tpu.memory_space<smem>>
    %c0_i32 = arith.constant 0 : i32
    %c0_i32_1 = arith.constant 0 : i32
    %c0_i32_2 = arith.constant 0 : i32
    return %get3A_0, %c0_i32, %c0_i32_1 : i32, i32, i32
  }
  func.func @transform_2(%arg0: i32, %arg1: memref<15xi32, #tpu.memory_space<smem>>, %arg2: memref<15xi32, #tpu.memory_space<smem>>, %arg3: memref<1xi32, #tpu.memory_space<smem>>) -> (i32, i32, i32) {
    %get3A = arith.index_cast %arg0 : i32 to index
    %get3A_0 = memref.load %arg1[%get3A] : memref<15xi32, #tpu.memory_space<smem>>
    %c0_i32 = arith.constant 0 : i32
    %c0_i32_1 = arith.constant 0 : i32
    %c0_i32_2 = arith.constant 0 : i32
    return %get3A_0, %c0_i32, %c0_i32_1 : i32, i32, i32
  }
  func.func @transform_3(%arg0: i32, %arg1: memref<15xi32, #tpu.memory_space<smem>>, %arg2: memref<15xi32, #tpu.memory_space<smem>>, %arg3: memref<1xi32, #tpu.memory_space<smem>>) -> (i32, i32, i32) {
    %get3A = arith.index_cast %arg0 : i32 to index
    %get3A_0 = memref.load %arg1[%get3A] : memref<15xi32, #tpu.memory_space<smem>>
    %c0_i32 = arith.constant 0 : i32
    %c0_i32_1 = arith.constant 0 : i32
    %c0_i32_2 = arith.constant 0 : i32
    return %get3A_0, %c0_i32, %c0_i32_1 : i32, i32, i32
  }
  func.func @transform_4(%arg0: i32, %arg1: memref<15xi32, #tpu.memory_space<smem>>, %arg2: memref<15xi32, #tpu.memory_space<smem>>, %arg3: memref<1xi32, #tpu.memory_space<smem>>) -> (i32, i32) {
    %get3A = arith.constant 0 : index
    %get3A_0 = memref.load %arg3[%get3A] : memref<1xi32, #tpu.memory_space<smem>>
    %sub3A = arith.constant 1 : i32
    %sub3A_1 = arith.subi %get3A_0, %sub3A : i32
    %min3A = arith.minsi %arg0, %sub3A_1 : i32
    %c0_i32 = arith.constant 0 : i32
    %c0_i32_2 = arith.constant 0 : i32
    return %min3A, %c0_i32 : i32, i32
  }
}

module attributes {stable_mosaic.version = 14 : i64} {
  func.func @_shared_body(%arg0: i32, %arg1: memref<512x1024xf32, #tpu.memory_space<vmem>>, %arg2: memref<1024x1024xf32, #tpu.memory_space<vmem>>, %arg3: memref<1024x1024xf32, #tpu.memory_space<vmem>>, %arg4: memref<1024x1024xf32, #tpu.memory_space<vmem>>, %arg5: memref<512x1024xf32, #tpu.memory_space<vmem>>, %arg6: memref<1024x1024xbf16, #tpu.memory_space<vmem>>, %arg7: memref<1024x1024xbf16, #tpu.memory_space<vmem>>, %arg8: memref<1024x1024xbf16, #tpu.memory_space<vmem>>) attributes {dimension_semantics = [#tpu.dimension_semantics<arbitrary>], iteration_bounds = array<i64: 4>, scalar_prefetch = 0 : i64, scratch_operands = 3 : i64, tpu.core_type = #tpu.core_type<tc>, window_params = [{transform_indices = @transform_0, window_bounds = array<i64: 512, 1024>}, {pipeline_mode = #tpu.pipeline_mode<synchronous>, transform_indices = @transform_1, window_bounds = array<i64: 1024, 1024>}, {pipeline_mode = #tpu.pipeline_mode<synchronous>, transform_indices = @transform_2, window_bounds = array<i64: 1024, 1024>}, {pipeline_mode = #tpu.pipeline_mode<synchronous>, transform_indices = @transform_3, window_bounds = array<i64: 1024, 1024>}, {transform_indices = @transform_4, window_bounds = array<i64: 512, 1024>}]} {
    %eq3A = arith.constant 0 : i32
    %eq3A_0 = arith.cmpi eq, %arg0, %eq3A : i32
    %convert_element_type3A = arith.extui %eq3A_0 : i1 to i32
    %cond3A = arith.constant 0 : i32
    %cond3A_1 = arith.cmpi ne, %convert_element_type3A, %cond3A : i32
    scf.if %cond3A_1 {
      %get3A_28 = arith.constant 0 : index
      %get3A_29 = arith.constant 0 : index
      %get3A_30 = vector.load %arg2[%get3A_28, %get3A_29] : memref<1024x1024xf32, #tpu.memory_space<vmem>>, vector<1024x1024xf32>
      %convert_element_type3A_31 = arith.truncf %get3A_30 : vector<1024x1024xf32> to vector<1024x1024xbf16>
      %swap3A_32 = arith.constant 0 : index
      %swap3A_33 = arith.constant 0 : index
      %swap3A_34 = vector.load %arg6[%swap3A_32, %swap3A_33] : memref<1024x1024xbf16, #tpu.memory_space<vmem>>, vector<1024x1024xbf16>
      tpu.vector_store %arg6[%swap3A_32, %swap3A_33], %convert_element_type3A_31 {strides = array<i32>} : memref<1024x1024xbf16, #tpu.memory_space<vmem>>, vector<1024x1024xbf16>,
      %get3A_35 = arith.constant 0 : index
      %get3A_36 = arith.constant 0 : index
      %get3A_37 = vector.load %arg3[%get3A_35, %get3A_36] : memref<1024x1024xf32, #tpu.memory_space<vmem>>, vector<1024x1024xf32>
      %convert_element_type3A_38 = arith.truncf %get3A_37 : vector<1024x1024xf32> to vector<1024x1024xbf16>
      %swap3A_39 = arith.constant 0 : index
      %swap3A_40 = arith.constant 0 : index
      %swap3A_41 = vector.load %arg7[%swap3A_39, %swap3A_40] : memref<1024x1024xbf16, #tpu.memory_space<vmem>>, vector<1024x1024xbf16>
      tpu.vector_store %arg7[%swap3A_39, %swap3A_40], %convert_element_type3A_38 {strides = array<i32>} : memref<1024x1024xbf16, #tpu.memory_space<vmem>>, vector<1024x1024xbf16>,
      %get3A_42 = arith.constant 0 : index
      %get3A_43 = arith.constant 0 : index
      %get3A_44 = vector.load %arg4[%get3A_42, %get3A_43] : memref<1024x1024xf32, #tpu.memory_space<vmem>>, vector<1024x1024xf32>
      %convert_element_type3A_45 = arith.truncf %get3A_44 : vector<1024x1024xf32> to vector<1024x1024xbf16>
      %swap3A_46 = arith.constant 0 : index
      %swap3A_47 = arith.constant 0 : index
      %swap3A_48 = vector.load %arg8[%swap3A_46, %swap3A_47] : memref<1024x1024xbf16, #tpu.memory_space<vmem>>, vector<1024x1024xbf16>
      tpu.vector_store %arg8[%swap3A_46, %swap3A_47], %convert_element_type3A_45 {strides = array<i32>} : memref<1024x1024xbf16, #tpu.memory_space<vmem>>, vector<1024x1024xbf16>,
    } else {
    }
    %get3A = arith.constant 0 : index
    %get3A_2 = arith.constant 0 : index
    %get3A_3 = vector.load %arg1[%get3A, %get3A_2] : memref<512x1024xf32, #tpu.memory_space<vmem>>, vector<512x1024xf32>
    %convert_element_type3A_4 = arith.truncf %get3A_3 : vector<512x1024xf32> to vector<512x1024xbf16>
    %get3A_5 = arith.constant 0 : index
    %get3A_6 = arith.constant 0 : index
    %get3A_7 = vector.load %arg6[%get3A_5, %get3A_6] : memref<1024x1024xbf16, #tpu.memory_space<vmem>>, vector<1024x1024xbf16>
    %dot_general3A = arith.constant dense<0.000000e+00> : vector<512x1024xf32>
    %dot_general3A_8 = tpu.matmul %convert_element_type3A_4, %get3A_7, %dot_general3A {dimension_numbers = #tpu.dot_dimension_numbers<[1], [1], [0], [0], [0, 0, 1, 0], [], []>, transpose_lhs_hint = false} : vector<512x1024xbf16>, vector<1024x1024xbf16>, vector<512x1024xf32> -> vector<512x1024xf32>
    %get3A_9 = arith.constant 0 : index
    %get3A_10 = arith.constant 0 : index
    %get3A_11 = vector.load %arg8[%get3A_9, %get3A_10] : memref<1024x1024xbf16, #tpu.memory_space<vmem>>, vector<1024x1024xbf16>
    %dot_general3A_12 = arith.constant dense<0.000000e+00> : vector<512x1024xf32>
    %dot_general3A_13 = tpu.matmul %convert_element_type3A_4, %get3A_11, %dot_general3A_12 {dimension_numbers = #tpu.dot_dimension_numbers<[1], [1], [0], [0], [0, 0, 1, 0], [], []>, transpose_lhs_hint = false} : vector<512x1024xbf16>, vector<1024x1024xbf16>, vector<512x1024xf32> -> vector<512x1024xf32>
    %logistic3A = arith.negf %dot_general3A_8 : vector<512x1024xf32>
    %logistic3A_14 = math.exp %logistic3A : vector<512x1024xf32>
    %logistic3A_15 = arith.constant 1.000000e+00 : f32
    %logistic3A_16 = vector.broadcast %logistic3A_15 : f32 to vector<512x1024xf32>
    %logistic3A_17 = arith.addf %logistic3A_16, %logistic3A_14 : vector<512x1024xf32>
    %logistic3A_18 = arith.divf %logistic3A_16, %logistic3A_17 : vector<512x1024xf32>
    %mul3A = arith.mulf %dot_general3A_8, %logistic3A_18 : vector<512x1024xf32>
    %mul3A_19 = arith.mulf %mul3A, %dot_general3A_13 : vector<512x1024xf32>
    %convert_element_type3A_20 = arith.truncf %mul3A_19 : vector<512x1024xf32> to vector<512x1024xbf16>
    %get3A_21 = arith.constant 0 : index
    %get3A_22 = arith.constant 0 : index
    %get3A_23 = vector.load %arg7[%get3A_21, %get3A_22] : memref<1024x1024xbf16, #tpu.memory_space<vmem>>, vector<1024x1024xbf16>
    %dot_general3A_24 = arith.constant dense<0.000000e+00> : vector<512x1024xf32>
    %dot_general3A_25 = tpu.matmul %convert_element_type3A_20, %get3A_23, %dot_general3A_24 {dimension_numbers = #tpu.dot_dimension_numbers<[1], [1], [0], [0], [0, 0, 1, 0], [], []>, transpose_lhs_hint = false} : vector<512x1024xbf16>, vector<1024x1024xbf16>, vector<512x1024xf32> -> vector<512x1024xf32>
    %swap3A = arith.constant 0 : index
    %swap3A_26 = arith.constant 0 : index
    %swap3A_27 = vector.load %arg5[%swap3A, %swap3A_26] : memref<512x1024xf32, #tpu.memory_space<vmem>>, vector<512x1024xf32>
    tpu.vector_store %arg5[%swap3A, %swap3A_26], %dot_general3A_25 {strides = array<i32>} : memref<512x1024xf32, #tpu.memory_space<vmem>>, vector<512x1024xf32>,
    return
  }
  func.func @transform_0(%arg0: i32) -> (i32, i32) {
    %c0_i32 = arith.constant 0 : i32
    %c0_i32_0 = arith.constant 0 : i32
    return %arg0, %c0_i32 : i32, i32
  }
  func.func @transform_1(%arg0: i32) -> (i32, i32) {
    %c0_i32 = arith.constant 0 : i32
    %c0_i32_0 = arith.constant 0 : i32
    %c0_i32_1 = arith.constant 0 : i32
    return %c0_i32, %c0_i32_0 : i32, i32
  }
  func.func @transform_2(%arg0: i32) -> (i32, i32) {
    %c0_i32 = arith.constant 0 : i32
    %c0_i32_0 = arith.constant 0 : i32
    %c0_i32_1 = arith.constant 0 : i32
    return %c0_i32, %c0_i32_0 : i32, i32
  }
  func.func @transform_3(%arg0: i32) -> (i32, i32) {
    %c0_i32 = arith.constant 0 : i32
    %c0_i32_0 = arith.constant 0 : i32
    %c0_i32_1 = arith.constant 0 : i32
    return %c0_i32, %c0_i32_0 : i32, i32
  }
  func.func @transform_4(%arg0: i32) -> (i32, i32) {
    %c0_i32 = arith.constant 0 : i32
    %c0_i32_0 = arith.constant 0 : i32
    return %arg0, %c0_i32 : i32, i32
  }
}

module attributes {stable_mosaic.version = 14 : i64} {
  func.func @_combine_body(%arg0: i32, %arg1: memref<512x1024xf32, #tpu.memory_space<vmem>>, %arg2: memref<512x1024xf32, #tpu.memory_space<vmem>>, %arg3: memref<512x1024xf32, #tpu.memory_space<vmem>>, %arg4: memref<512x1xf32, #tpu.memory_space<vmem>>, %arg5: memref<512x1xf32, #tpu.memory_space<vmem>>, %arg6: memref<512x1024xf32, #tpu.memory_space<vmem>>) attributes {dimension_semantics = [#tpu.dimension_semantics<arbitrary>], iteration_bounds = array<i64: 4>, scalar_prefetch = 0 : i64, scratch_operands = 0 : i64, tpu.core_type = #tpu.core_type<tc>, window_params = [{transform_indices = @transform_0, window_bounds = array<i64: 512, 1024>}, {transform_indices = @transform_1, window_bounds = array<i64: 512, 1024>}, {transform_indices = @transform_2, window_bounds = array<i64: 512, 1024>}, {transform_indices = @transform_3, window_bounds = array<i64: 512, 1>}, {transform_indices = @transform_4, window_bounds = array<i64: 512, 1>}, {transform_indices = @transform_5, window_bounds = array<i64: 512, 1024>}]} {
    %get3A = arith.constant 0 : index
    %get3A_0 = arith.constant 0 : index
    %get3A_1 = vector.load %arg4[%get3A, %get3A_0] : memref<512x1xf32, #tpu.memory_space<vmem>>, vector<512x1xf32>
    %get3A_2 = arith.constant 0 : index
    %get3A_3 = arith.constant 0 : index
    %get3A_4 = vector.load %arg2[%get3A_2, %get3A_3] : memref<512x1024xf32, #tpu.memory_space<vmem>>, vector<512x1024xf32>
    %mul3A = vector.broadcast %get3A_1 : vector<512x1xf32> to vector<512x1024xf32>
    %mul3A_5 = arith.mulf %mul3A, %get3A_4 : vector<512x1024xf32>
    %get3A_6 = arith.constant 0 : index
    %get3A_7 = arith.constant 0 : index
    %get3A_8 = vector.load %arg5[%get3A_6, %get3A_7] : memref<512x1xf32, #tpu.memory_space<vmem>>, vector<512x1xf32>
    %get3A_9 = arith.constant 0 : index
    %get3A_10 = arith.constant 0 : index
    %get3A_11 = vector.load %arg3[%get3A_9, %get3A_10] : memref<512x1024xf32, #tpu.memory_space<vmem>>, vector<512x1024xf32>
    %mul3A_12 = vector.broadcast %get3A_8 : vector<512x1xf32> to vector<512x1024xf32>
    %mul3A_13 = arith.mulf %mul3A_12, %get3A_11 : vector<512x1024xf32>
    %add3A = arith.addf %mul3A_5, %mul3A_13 : vector<512x1024xf32>
    %get3A_14 = arith.constant 0 : index
    %get3A_15 = arith.constant 0 : index
    %get3A_16 = vector.load %arg1[%get3A_14, %get3A_15] : memref<512x1024xf32, #tpu.memory_space<vmem>>, vector<512x1024xf32>
    %add3A_17 = arith.addf %add3A, %get3A_16 : vector<512x1024xf32>
    %swap3A = arith.constant 0 : index
    %swap3A_18 = arith.constant 0 : index
    %swap3A_19 = vector.load %arg6[%swap3A, %swap3A_18] : memref<512x1024xf32, #tpu.memory_space<vmem>>, vector<512x1024xf32>
    tpu.vector_store %arg6[%swap3A, %swap3A_18], %add3A_17 {strides = array<i32>} : memref<512x1024xf32, #tpu.memory_space<vmem>>, vector<512x1024xf32>,
    return
  }
  func.func @transform_0(%arg0: i32) -> (i32, i32) {
    %c0_i32 = arith.constant 0 : i32
    %c0_i32_0 = arith.constant 0 : i32
    return %arg0, %c0_i32 : i32, i32
  }
  func.func @transform_1(%arg0: i32) -> (i32, i32) {
    %c0_i32 = arith.constant 0 : i32
    %c0_i32_0 = arith.constant 0 : i32
    return %arg0, %c0_i32 : i32, i32
  }
  func.func @transform_2(%arg0: i32) -> (i32, i32) {
    %c0_i32 = arith.constant 0 : i32
    %c0_i32_0 = arith.constant 0 : i32
    return %arg0, %c0_i32 : i32, i32
  }
  func.func @transform_3(%arg0: i32) -> (i32, i32) {
    %c0_i32 = arith.constant 0 : i32
    %c0_i32_0 = arith.constant 0 : i32
    return %arg0, %c0_i32 : i32, i32
  }
  func.func @transform_4(%arg0: i32) -> (i32, i32) {
    %c0_i32 = arith.constant 0 : i32
    %c0_i32_0 = arith.constant 0 : i32
    return %arg0, %c0_i32 : i32, i32
  }
  func.func @transform_5(%arg0: i32) -> (i32, i32) {
    %c0_i32 = arith.constant 0 : i32
    %c0_i32_0 = arith.constant 0 : i32
    return %arg0, %c0_i32 : i32, i32
  }
}

</mosaic_0001>

<sc_bundles>
// kernel: kernel.11.cloned.1.call-start
scs
__scs_entry_jumppad:
0x0: {  	(pc) =	sbr.rel $0x88, $3  }
0x1: {  	(tag) =	ssettag $0x0;
	lr =	simm.s32 $0x1  }
0x2: {  	[smem:$0x3F98] =	sst lr;
	_ =	strace $0xD0000000  }
0x3: {  	_ = 	snop  }
0x4: {  	_ = 	snop  }
0x5: {  	_ = 	snop  }
0x6: {  	_ = 	snop  }
0x7: {  	_ = 	snop  }
__scs_overlays_trampoline_lowered:
0x8: {  	[smem:$0x3FA7] =	sst s0  }
0x9: {  	[smem:$0x3FA8] =	sst s1  }
0xa: {  	[smem:$0x3FA9] =	sst s2  }
0xb: {  	[smem:$0x3FAA] =	sst s3  }
0xc: {  	[smem:$0x3FAB] =	sst s4  }
0xd: {  	[smem:$0x3FAC] =	sst s5  }
0xe: {  	[smem:$0x3FAD] =	sst s6  }
0xf: {  	[smem:$0x3FAE] =	sst s7  }
0x10: {  	[smem:$0x3FAF] =	sst s8  }
0x11: {  	[smem:$0x3FB0] =	sst s9;
	s0 =	simm.s32 @!p0 $0x0  }
0x12: {  	s1 =	sld [smem:$0x3F96];
	s0 =	simm.s32 @p0 $0x1  }
0x13: {  	[smem:$0x3FB1] =	sst s0;
	s0 =	simm.s32 @!p1 $0x0  }
0x14: {  	s2 =	sld [smem:$0x3F95];
	s0 =	simm.s32 @p1 $0x1  }
0x15: {  	[smem:$0x3FB2] =	sst s0;
	s0 =	simm.s32 @!p2 $0x0  }
0x16: {  	s3 =	sld [smem:$0x3FDB];
	s0 =	simm.s32 @p2 $0x1  }
0x17: {  	s4 =	simm.s32 $0x1BF5;
	[smem:$0x3FB4] =	sst s0  }
0x18: {  	s0 =	sld [smem:$0x3F97];
	_ =	swait.ge [sflag:s4], $0x0  }
0x19: {  	s7 =	sld [smem:$0x3F98]  }
0x1a: {  	s8 =	sadd.s32 $0xFFFFE003, lr  }
0x1b: {  	s9 =	sadd.s32 $0xFFFFFEF7, lr;
	s5 =	simm.s32 $0xFFFFFFFF;
	p2 =	slt.u32 s8, $0xFFFFF086  }
0x1c: {  	p1 =	slt.u32 s9, $0xF7A;
	s5 =	simm.s32 @!p2 $0x0  }
0x1d: {  	s5 =	simm.s32 @p1 $0x1;
	p0 =	seq.s32 s7, s2  }
0x1e: {  	s7 =	smul.u32 @!p0 $0xF7A, s2;
	p2 =	seq.s32 @!p0 s5, $0x0  }
0x1f: {  	s9 =	smul.u32 $0xF7A, s1;
	s8 =	simm.s32 @!p0 $0x1BF5;
	p2 =	por !p2, p0  }
0x20: {  	[sflag:s8] =	ssyncset.s32 @!p0 $0xFFFFF086;
	s6 =	sadd.s32 @!p0 s3, s7;
	s7 =	simm.s32 @!p0 $0x108  }
0x21: {  	s3 =	sadd.s32 s3, s9;
	s6 =	sadd.s32 @!p0 $0x88, s6;
	s7 =	simm.s32 @p2 $0x1082  }
0x22: {  	[simem:s7], [sflag:s8] =	dma.local @!p0 [hbm:s6], $0xF7A  }
0x23: {  	s9 =	sor.u32 $0xD0000000, s2;
	s6 =	simm.s32 $0x108;
	_ =	swait.ge @!p0 [sflag:s8], $0x0  }
0x24: {  	s3 =	sadd.s32 $0x88, s3;
	s6 =	simm.s32 @!p1 $0x1082;
	[sflag:s4] =	ssyncset.s32 $0xFFFFF086  }
0x25: {  	[simem:s6], [sflag:s4] =	dma.local [hbm:s3], $0xF7A  }
0x26: {  	[smem:$0x3F98] =	sst s1;
	(tag) =	ssettag s2;
	_ =	strace s9  }
0x27: {  	s1 =	sld [smem:$0x3FA8]  }
0x28: {  	s2 =	sld [smem:$0x3FA9]  }
0x29: {  	s4 =	sld [smem:$0x3FAB]  }
0x2a: {  	p0 =	seq.s32 s5, $0x0;
	s5 =	sld [smem:$0x3FAC]  }
0x2b: {  	s6 =	sld [smem:$0x3FAD]  }
0x2c: {  	s7 =	sld [smem:$0x3FAE]  }
0x2d: {  	s3 =	simm.s32 $0x108;
	s8 =	sld [smem:$0x3FAF]  }
0x2e: {  	s3 =	simm.s32 @!p0 $0x1082;
	s9 =	sld [smem:$0x3FB0]  }
0x2f: {  	lr =	sadd.s32 s0, s3;
	s0 =	sld [smem:$0x3FA7]  }
0x30: {  	s3 =	sld [smem:$0x3FAA]  }
0x31: {  	[smem:$0x3FB3] =	sst s10  }
0x32: {  	s10 =	sld [smem:$0x3FB1];
	_ =	sdelay $0x3  }
0x33: {  	p0 =	seq.s32 s10, $0x1;
	s10 =	sld [smem:$0x3FB3];
	_ =	sdelay $0x3  }
0x34: {  	[smem:$0x3FB3] =	sst s10  }
0x35: {  	s10 =	sld [smem:$0x3FB2];
	_ =	sdelay $0x3  }
0x36: {  	p1 =	seq.s32 s10, $0x1;
	s10 =	sld [smem:$0x3FB3];
	_ =	sdelay $0x3  }
0x37: {  	[smem:$0x3FB3] =	sst s10  }
0x38: {  	s10 =	sld [smem:$0x3FB4]  }
0x39: {  	_ = 	snop;
	(pc) =	sbr.ind lr, $3  }
0x3a: {  	_ = 	snop  }
0x3b: {  	_ = 	snop  }
0x3c: {  	p2 =	seq.s32 s10, $0x1;
	s10 =	sld [smem:$0x3FB3]  }
0x3d: {  	_ =	shalt  }
0x3e: {  	_ =	shalt  }
0x3f: {  	_ =	shalt  }
0x40: {  	_ =	shalt  }
0x41: {  	_ =	shalt  }
0x42: {  	_ =	shalt  }
0x43: {  	_ =	shalt  }
0x44: {  	_ =	shalt  }
0x45: {  	_ =	shalt  }
0x46: {  	_ =	shalt  }
0x47: {  	_ =	shalt  }
0x48: {  	_ =	shalt  }
0x49: {  	_ =	shalt  }
0x4a: {  	_ =	shalt  }
0x4b: {  	_ =	shalt  }
0x4c: {  	_ =	shalt  }
0x4d: {  	_ =	shalt  }
0x4e: {  	_ =	shalt  }
0x4f: {  	_ =	shalt  }
0x50: {  	_ =	shalt  }
0x51: {  	_ =	shalt  }
0x52: {  	_ =	shalt  }
0x53: {  	_ =	shalt  }
0x54: {  	_ =	shalt  }
0x55: {  	_ =	shalt  }
0x56: {  	_ =	shalt  }
0x57: {  	_ =	shalt  }
0x58: {  	_ =	shalt  }
0x59: {  	_ =	shalt  }
0x5a: {  	_ =	shalt  }
0x5b: {  	_ =	shalt  }
0x5c: {  	_ =	shalt  }
0x5d: {  	_ =	shalt  }
0x5e: {  	_ =	shalt  }
0x5f: {  	_ =	shalt  }
0x60: {  	_ =	shalt  }
0x61: {  	_ =	shalt  }
0x62: {  	_ =	shalt  }
0x63: {  	_ =	shalt  }
0x64: {  	_ =	shalt  }
0x65: {  	_ =	shalt  }
0x66: {  	_ =	shalt  }
0x67: {  	_ =	shalt  }
0x68: {  	_ =	shalt  }
0x69: {  	_ =	shalt  }
0x6a: {  	_ =	shalt  }
0x6b: {  	_ =	shalt  }
0x6c: {  	_ =	shalt  }
0x6d: {  	_ =	shalt  }
0x6e: {  	_ =	shalt  }
0x6f: {  	_ =	shalt  }
0x70: {  	_ =	shalt  }
0x71: {  	_ =	shalt  }
0x72: {  	_ =	shalt  }
0x73: {  	_ =	shalt  }
0x74: {  	_ =	shalt  }
0x75: {  	_ =	shalt  }
0x76: {  	_ =	shalt  }
0x77: {  	_ =	shalt  }
0x78: {  	_ =	shalt  }
0x79: {  	_ =	shalt  }
0x7a: {  	_ =	shalt  }
0x7b: {  	_ =	shalt  }
0x7c: {  	_ =	shalt  }
0x7d: {  	_ =	shalt  }
0x7e: {  	_ =	shalt  }
0x7f: {  	_ =	shalt  }
0x80: {  	_ =	shalt  }
0x81: {  	_ =	shalt  }
0x82: {  	_ =	shalt  }
0x83: {  	_ =	shalt  }
0x84: {  	_ =	shalt  }
0x85: {  	_ =	shalt  }
0x86: {  	_ =	shalt  }
0x87: {  	_ =	shalt  }
.Lfunc_end0:
.L_simem_size_0:
called_computation.1_lowered:
.L_overlay_start_0:
0x88: {  	s2 =	sld [smem:$0x3FD9]  }
0x89: {  	s3 =	sld [smem:$0x3FFE];
	_ =	sdelay $0x1  }
0x8a: {  	s1 =	srdreg.scid  }
0x8b: {  	s0 =	sand.u32 $0x1, s1  }
0x8c: {  	s17 =	sshll.u32 s0, $0xA;
	s2 =	sadd.s32 s3, s2  }
0x8d: {  	s2 =	sadd.s32 s2, s17  }
0x8e: {  	[smem:$0x3FBF] =	sst s2  }
0x8f: {  	_ = 	snop  }
0x90: {  	s2 =	sld [smem:$0x3FD0];
	(tm) =	ssettm $0x1  }
0x91: {  	s18 =	sld [smem:$0x3FFB];
	_ =	sdelay $0x3  }
0x92: {  	_ =	strace s18  }
0x93: {  	s3 =	sld [smem:$0x3FFC];
	_ =	sdelay $0x3  }
0x94: {  	_ =	strace s3  }
0x95: {  	s3 =	sld [smem:$0x3FFD];
	_ =	sdelay $0x3  }
0x96: {  	_ =	strace s3  }
0x97: {  	_ =	strace $0x8FFFFFFF  }
0x98: {  	s19 =	sld [smem:$0x3FDB];
	_ =	sdelay $0x1  }
0x99: {  	s4 =	simm.s32 $_scs_section_size  }
0x9a: {  	s5 =	simm.s32 $_size__tile_overlayer_lowered;
	s6 =	simm.s32 $_tile_overlayer_lowered  }
0x9b: {  	s22 =	simm.s32 $0x1BFF;
	s21 =	sshll.u32 s6, $0x1;
	s3 =	sadd.s32 s4, s19  }
0x9c: {  	s7 =	simm.s32 $0x0;
	s20 =	sshll.u32 s5, $0x1;
	s5 =	sadd.s32 s21, s3  }
0x9d: {  	[timem:s7], [sflag:s22] =	dma.local [hbm:s5], s20  }
0x9e: {  	_ =	swait.ge [sflag:s22], s20  }
0x9f: {  	s4 =	ssub.s32 $0x0, s20;
	[sflag:s22] =	ssyncset.done $0x0  }
0xa0: {  	[sflag:s22] =	ssyncadd.s32 s4;
	_ =	sdelay $0x1  }
0xa1: {  	s23 =	simm.s32 $0x1B8B  }
0xa2: {  	_ =	swait.ge [sflag:s23], $0x1  }
0xa3: {  	[sflag:s23] =	ssyncset.done $0x0  }
0xa4: {  	s25 =	simm.s32 $0x1B8E;
	s24 =	sld [smem:$0x3FFE];
	[sflag:s23] =	ssyncadd.s32 $0xFFFFFFFF  }
0xa5: {  	s26 =	simm.s32 $execute0_lowered;
	[smem:$0x3FD2] =	sst s25  }
0xa6: {  	s5 =	sshll.u32 s26, $0x1;
	_ =	strace $0x80000049;
	[dreg:$0x1] =	wrdreg $0xFFFFFFFF  }
0xa7: {  	s28 =	simm.s32 $_size_execute0_lowered;
	s3 =	sadd.s32 s3, s5;
	[dreg:$0x0] =	wrdreg $0x0  }
0xa8: {  	s5 =	sshll.u32 s28, $0x1;
	[dreg:$0x2] =	wrdreg s3  }
0xa9: {  	[dreg:$0x3] =	wrdreg s5  }
0xaa: {  	[dreg:$0x4] =	wrdreg $0xC0  }
0xab: {  	_ =	task [dreg:s7], $0x5FFFF  }
0xac: {  	[dreg:$0x1] =	wrdreg $0xFFFFFFFF  }
0xad: {  	[dreg:$0x0] =	wrdreg $0x60  }
0xae: {  	[dreg:$0x2] =	wrdreg s24  }
0xaf: {  	[dreg:$0x3] =	wrdreg s2  }
0xb0: {  	[dreg:$0x4] =	wrdreg $0x9  }
0xb1: {  	_ =	task.clear_ibuf [dreg:s7], $0x5FFFF;
	_ =	strace $0x90000049  }
0xb2: {  	s29 =	simm.s32 $0x9;
	_ =	strace $0x8000004B  }
0xb3: {  	_ =	swait.ge [sflag:s29], $0x1  }
0xb4: {  	[sflag:s29] =	ssyncadd.s32 $0xFFFFFFFF  }
0xb5: {  	_ =	strace $0x9000004B  }
0xb6: {  	_ =	sfence  }
0xb7: {  	s30 =	sld [smem:$0x0];
	_ =	sdelay $0x2  }
0xb8: {  	s31 =	sshll.u32 s1, $0xD;
	s1 =	sshrl.u32 s1, $0x2  }
0xb9: {  	s3 =	sand.u32 $0x4000, s31;
	s1 =	sadd.s32 s1, s30  }
0xba: {  	s0 =	sor.u32 s3, s0;
	s1 =	sshll.u32 s1, $0x11  }
0xbb: {  	s0 =	sor.u32 s1, s0  }
0xbc: {  	s0 =	sadd.s32 $0x8F2B, s0  }
0xbd: {  	[sflag:s0] =	ssyncadd.remote.s32 $0x1  }
0xbe: {  	_ =	sfence.sel $0xFFFF  }
0xbf: {  	[dreg:$0x0] =	wrdreg $0xFFFFFFFF;
	(pc) =	sbr.abs _section_cstart, $3  }
0xc0: {  	[dreg:$0x1] =	wrdreg $0xFFFFFFFF  }
0xc1: {  	_ =	task.clear_ibuf [dreg:s7], $0x2FFFF;
	_ =	strace $0x9FFFFFFF  }
0xc2: {  	(tm) =	ssettm $0x7FFFFFFF  }
0xc3: {  	_ =	shalt  }
tec
execute0_lowered:
.L_overlay_start_1:
0x0: {  	(tag) =	ssettag $0x1  }
0x1: {  	s0 =	rddreg [dreg:$0x0]  }
0x2: {  	s1 =	rddreg [dreg:$0x1]  }
0x3: {  	s2 =	srdreg.scid;
	s3 =	stileid.u32;
	s25 =	simm.s32 $0x10000  }
0x4: {  	s26 =	simm.s32 $0x10080;
	s20 =	simm.s32 $0x1800;
	s28 =	simm.s32 $0x4800  }
0x5: {  	s29 =	simm.s32 $0x5000;
	s30 =	simm.s32 $0x5800;
	s31 =	simm.s32 $0x6000  }
0x6: {  	s10 =	simm.s32 $0x8800;
	s11 =	simm.s32 $0x9000;
	s12 =	simm.s32 $0x9800  }
0x7: {  	s13 =	simm.s32 $0xA000;
	s14 =	simm.s32 $0xA800;
	s15 =	simm.s32 $0xB000  }
0x8: {  	s4 =	sand.u32 $0x1, s2;
	s2 =	simm.s32 $0x0;
	s3 =	sshll.u32 s3, $0x7  }
0x9: {  	s7 =	sadd.s32 $0x10C00, s0;
	s5 =	sshll.u32 s4, $0x6;
	[smem:$0x7FF] =	sst s2  }
0xa: {  	s4 =	ssub.s32 $0x2, s4;
	s5 =	sor.u32 s5, s3;
	_ =	strace $0x8000004A  }
0xb: {  	s3 =	sadd.s32 $0x11F000, s0;
	s8 =	sshrl.u32 s4, $0x1;
	[dreg:$0x9] =	wrdreg s25  }
0xc: {  	[dreg:$0xa] =	wrdreg s26;
	s25 =	simm.s32 $0x3800;
	s26 =	simm.s32 $0x4000  }
0xd: {  	s6 =	sshrl.u32 s5, $0x3;
	s5 =	sshll.u32 s5, $0x7;
	s8 =	ssub.s32 s4, s8  }
0xe: {  	s4 =	sadd.s32 $0x11F100, s0;
	s6 =	sadd.s32 s6, s0;
	s21 =	sadd.s32 s1, s5  }
0xf: {  	s22 =	sadd.s32 s7, s5;
	s23 =	sor.u32 $0x1000, s5;
	s5 =	sadd.s32 $0x11F200, s0  }
0x10: {  	s9 =	sadd.s32 $0x10800, s6;
	s6 =	sadd.s32 $0x10A00, s6;
	[dreg:$0x5] =	wrdreg s21  }
0x11: {  	[dreg:$0x6] =	wrdreg s22;
	s1 =	sadd.s32 s1, s23;
	s24 =	sadd.s32 s7, s23  }
0x12: {  	s7 =	smax.u32 s8, $0x1;
	s8 =	simm.s32 $0x1;
	[dreg:$0x3] =	wrdreg s9  }
0x13: {  	v2 =	vlaneseq.u32;
	s21 =	simm.s32 $0x2000;
	s22 =	simm.s32 $0x2800;
	[dreg:$0x4] =	wrdreg s6  }
0x14: {  	vm0 =	vmmov $0xffff;
	v1 =	vshrl.u32 v2, $0x3;
	s23 =	simm.s32 $0x3000;
	[dreg:$0x7] =	wrdreg s1;
	s6 =	sadd.s32 $0x11F300, s0  }
0x15: {  	v0 =	vand.u32 $0x7, v2;
	v2 =	vor.u32 $0x8, v2;
	v1 =	vmul.u32 $0x8, v1;
	[dreg:$0x8] =	wrdreg s24;
	s9 =	simm.s32 $0x7800;
	s24 =	simm.s32 $0xB800  }
.LBB2_1:
0x16: {  	s16 =	rddreg [dreg:$0x3]  }
0x17: {  	s17 =	rddreg [dreg:$0x9]  }
0x18: {  	s18 =	rddreg [dreg:$0x4]  }
0x19: {  	[tilespmem:s17], [sflag:$0x1] =	stream.linear.gather [hbm4b:s16+s2], $0x40, $0x38;
	[tilespmem:$0x10100] =	vst v63  }
0x1a: {  	s19 =	rddreg [dreg:$0xa]  }
0x1b: {  	[tilespmem:s19], [sflag:$0x1] =	stream.linear.gather [hbm4b:s18+s2], $0x40, $0x38;
	[tilespmem:$0x10100] =	vst v63  }
0x1c: {  	_ =	swait.ge [sflag:s8], $0x40  }
0x1d: {  	[sflag:s8] =	ssyncset.done $0x0  }
0x1e: {  	[sflag:s8] =	ssyncadd.s32 $0xFFFFFFC0  }
0x1f: {  	_ =	swait.ge [sflag:s8], $0x40  }
0x20: {  	[sflag:s8] =	ssyncset.done $0x0  }
0x21: {  	[sflag:s8] =	ssyncadd.s32 $0xFFFFFFC0  }
0x22: {  	v3 =	vld [tilespmem:$0x10000];
	_ =	sdelay $0x4  }
0x23: {  	v4 =	vshll.u32 v3, $0x3  }
0x24: {  	v3 =	vand.u32 $0x7, v3;
	v4 =	vand.u32 $0xFFFFFFC0, v4  }
0x25: {  	v3 =	vor.u32 v3, v4  }
0x26: {  	v4 =	vperm.xlane v3, v0;
	_ =	sdelay $0x1  }
0x27: {  	v4 =	vadd.s32 v1, v4;
	_ =	sdelay $0x4  }
0x28: {  	[tilespmem:s2], [sflag:$0x1] =	stream.indirect_vreg.gather [hbm4b:s3+s2], $0x80, v4, vm0, $0xb8;
	[tilespmem:$0x10100] =	vst v63  }
0x29: {  	s18 =	simm.s32 $0x800;
	v3 =	vperm.xlane v3, v2  }
0x2a: {  	[tilespmem:s18], [sflag:$0x1] =	stream.indirect_vreg.gather [hbm4b:s4+s2], $0x80, v4, vm0, $0xb8;
	[tilespmem:$0x10100] =	vst v63  }
0x2b: {  	s19 =	simm.s32 $0x1000;
	v3 =	vadd.s32 v1, v3  }
0x2c: {  	[tilespmem:s19], [sflag:$0x1] =	stream.indirect_vreg.gather [hbm4b:s5+s2], $0x80, v4, vm0, $0xb8;
	[tilespmem:$0x10100] =	vst v63  }
0x2d: {  	_ = 	snop  }
0x2e: {  	[tilespmem:s20], [sflag:$0x1] =	stream.indirect_vreg.gather [hbm4b:s6+s2], $0x80, v4, vm0, $0xb8;
	[tilespmem:$0x10100] =	vst v63  }
0x2f: {  	_ = 	snop  }
0x30: {  	[tilespmem:s21], [sflag:$0x1] =	stream.indirect_vreg.gather [hbm4b:s3+s2], $0x80, v3, vm0, $0xb8;
	[tilespmem:$0x10100] =	vst v63  }
0x31: {  	_ = 	snop  }
0x32: {  	[tilespmem:s22], [sflag:$0x1] =	stream.indirect_vreg.gather [hbm4b:s4+s2], $0x80, v3, vm0, $0xb8;
	[tilespmem:$0x10100] =	vst v63  }
0x33: {  	_ = 	snop  }
0x34: {  	[tilespmem:s23], [sflag:$0x1] =	stream.indirect_vreg.gather [hbm4b:s5+s2], $0x80, v3, vm0, $0xb8;
	[tilespmem:$0x10100] =	vst v63  }
0x35: {  	_ = 	snop  }
0x36: {  	[tilespmem:s25], [sflag:$0x1] =	stream.indirect_vreg.gather [hbm4b:s6+s2], $0x80, v3, vm0, $0xb8;
	[tilespmem:$0x10100] =	vst v63  }
0x37: {  	v3 =	vld [tilespmem:$0x10010];
	_ =	sdelay $0x4  }
0x38: {  	v57 =	vshll.u32 v3, $0x3  }
0x39: {  	v3 =	vand.u32 $0x7, v3;
	v4 =	vand.u32 $0xFFFFFFC0, v57  }
0x3a: {  	v3 =	vor.u32 v3, v4  }
0x3b: {  	v4 =	vperm.xlane v3, v0;
	_ =	sdelay $0x1  }
0x3c: {  	v4 =	vadd.s32 v1, v4;
	_ =	sdelay $0x4  }
0x3d: {  	[tilespmem:s26], [sflag:$0x1] =	stream.indirect_vreg.gather [hbm4b:s3+s2], $0x80, v4, vm0, $0xb8;
	[tilespmem:$0x10100] =	vst v63  }
0x3e: {  	v3 =	vperm.xlane v3, v2  }
0x3f: {  	[tilespmem:s28], [sflag:$0x1] =	stream.indirect_vreg.gather [hbm4b:s4+s2], $0x80, v4, vm0, $0xb8;
	[tilespmem:$0x10100] =	vst v63  }
0x40: {  	v3 =	vadd.s32 v1, v3  }
0x41: {  	[tilespmem:s29], [sflag:$0x1] =	stream.indirect_vreg.gather [hbm4b:s5+s2], $0x80, v4, vm0, $0xb8;
	[tilespmem:$0x10100] =	vst v63  }
0x42: {  	_ = 	snop  }
0x43: {  	[tilespmem:s30], [sflag:$0x1] =	stream.indirect_vreg.gather [hbm4b:s6+s2], $0x80, v4, vm0, $0xb8;
	[tilespmem:$0x10100] =	vst v63  }
0x44: {  	_ = 	snop  }
0x45: {  	[tilespmem:s31], [sflag:$0x1] =	stream.indirect_vreg.gather [hbm4b:s3+s2], $0x80, v3, vm0, $0xb8;
	[tilespmem:$0x10100] =	vst v63  }
0x46: {  	s0 =	simm.s32 $0x6800  }
0x47: {  	[tilespmem:s0], [sflag:$0x1] =	stream.indirect_vreg.gather [hbm4b:s4+s2], $0x80, v3, vm0, $0xb8;
	[tilespmem:$0x10100] =	vst v63  }
0x48: {  	s1 =	simm.s32 $0x7000  }
0x49: {  	[tilespmem:s1], [sflag:$0x1] =	stream.indirect_vreg.gather [hbm4b:s5+s2], $0x80, v3, vm0, $0xb8;
	[tilespmem:$0x10100] =	vst v63  }
0x4a: {  	_ = 	snop  }
0x4b: {  	[tilespmem:s9], [sflag:$0x1] =	stream.indirect_vreg.gather [hbm4b:s6+s2], $0x80, v3, vm0, $0xb8;
	[tilespmem:$0x10100] =	vst v63  }
0x4c: {  	v3 =	vld [tilespmem:$0x10080];
	_ =	sdelay $0x4  }
0x4d: {  	v58 =	vshll.u32 v3, $0x3  }
0x4e: {  	v3 =	vand.u32 $0x7, v3;
	v4 =	vand.u32 $0xFFFFFFC0, v58  }
0x4f: {  	v3 =	vor.u32 v3, v4  }
0x50: {  	v4 =	vperm.xlane v3, v0;
	_ =	sdelay $0x1  }
0x51: {  	v4 =	vadd.s32 v1, v4;
	_ =	sdelay $0x3  }
0x52: {  	s0 =	simm.s32 $0x8000  }
0x53: {  	[tilespmem:s0], [sflag:$0x1] =	stream.indirect_vreg.gather [hbm4b:s3+s2], $0x80, v4, vm0, $0xb8;
	[tilespmem:$0x10100] =	vst v63  }
0x54: {  	v3 =	vperm.xlane v3, v2  }
0x55: {  	[tilespmem:s10], [sflag:$0x1] =	stream.indirect_vreg.gather [hbm4b:s4+s2], $0x80, v4, vm0, $0xb8;
	[tilespmem:$0x10100] =	vst v63  }
0x56: {  	v3 =	vadd.s32 v1, v3  }
0x57: {  	[tilespmem:s11], [sflag:$0x1] =	stream.indirect_vreg.gather [hbm4b:s5+s2], $0x80, v4, vm0, $0xb8;
	[tilespmem:$0x10100] =	vst v63  }
0x58: {  	_ = 	snop  }
0x59: {  	[tilespmem:s12], [sflag:$0x1] =	stream.indirect_vreg.gather [hbm4b:s6+s2], $0x80, v4, vm0, $0xb8;
	[tilespmem:$0x10100] =	vst v63  }
0x5a: {  	_ = 	snop  }
0x5b: {  	[tilespmem:s13], [sflag:$0x1] =	stream.indirect_vreg.gather [hbm4b:s3+s2], $0x80, v3, vm0, $0xb8;
	[tilespmem:$0x10100] =	vst v63  }
0x5c: {  	_ = 	snop  }
0x5d: {  	[tilespmem:s14], [sflag:$0x1] =	stream.indirect_vreg.gather [hbm4b:s4+s2], $0x80, v3, vm0, $0xb8;
	[tilespmem:$0x10100] =	vst v63  }
0x5e: {  	_ = 	snop  }
0x5f: {  	[tilespmem:s15], [sflag:$0x1] =	stream.indirect_vreg.gather [hbm4b:s5+s2], $0x80, v3, vm0, $0xb8;
	[tilespmem:$0x10100] =	vst v63  }
0x60: {  	_ = 	snop  }
0x61: {  	[tilespmem:s24], [sflag:$0x1] =	stream.indirect_vreg.gather [hbm4b:s6+s2], $0x80, v3, vm0, $0xb8;
	[tilespmem:$0x10100] =	vst v63  }
0x62: {  	v3 =	vld [tilespmem:$0x10090];
	_ =	sdelay $0x4  }
0x63: {  	v59 =	vshll.u32 v3, $0x3  }
0x64: {  	v3 =	vand.u32 $0x7, v3;
	v4 =	vand.u32 $0xFFFFFFC0, v59  }
0x65: {  	v3 =	vor.u32 v3, v4  }
0x66: {  	v4 =	vperm.xlane v3, v0;
	_ =	sdelay $0x1  }
0x67: {  	v4 =	vadd.s32 v1, v4;
	_ =	sdelay $0x3  }
0x68: {  	s17 =	simm.s32 $0xC000  }
0x69: {  	[tilespmem:s17], [sflag:$0x1] =	stream.indirect_vreg.gather [hbm4b:s3+s2], $0x80, v4, vm0, $0xb8;
	[tilespmem:$0x10100] =	vst v63  }
0x6a: {  	v3 =	vperm.xlane v3, v2;
	s17 =	simm.s32 $0xC800  }
0x6b: {  	[tilespmem:s17], [sflag:$0x1] =	stream.indirect_vreg.gather [hbm4b:s4+s2], $0x80, v4, vm0, $0xb8;
	[tilespmem:$0x10100] =	vst v63  }
0x6c: {  	v3 =	vadd.s32 v1, v3;
	s17 =	simm.s32 $0xD000  }
0x6d: {  	[tilespmem:s17], [sflag:$0x1] =	stream.indirect_vreg.gather [hbm4b:s5+s2], $0x80, v4, vm0, $0xb8;
	[tilespmem:$0x10100] =	vst v63  }
0x6e: {  	s17 =	simm.s32 $0xD800  }
0x6f: {  	[tilespmem:s17], [sflag:$0x1] =	stream.indirect_vreg.gather [hbm4b:s6+s2], $0x80, v4, vm0, $0xb8;
	[tilespmem:$0x10100] =	vst v63  }
0x70: {  	s17 =	simm.s32 $0xE000  }
0x71: {  	[tilespmem:s17], [sflag:$0x1] =	stream.indirect_vreg.gather [hbm4b:s3+s2], $0x80, v3, vm0, $0xb8;
	[tilespmem:$0x10100] =	vst v63  }
0x72: {  	s17 =	simm.s32 $0xE800  }
0x73: {  	[tilespmem:s17], [sflag:$0x1] =	stream.indirect_vreg.gather [hbm4b:s4+s2], $0x80, v3, vm0, $0xb8;
	[tilespmem:$0x10100] =	vst v63  }
0x74: {  	s17 =	simm.s32 $0xF000  }
0x75: {  	[tilespmem:s17], [sflag:$0x1] =	stream.indirect_vreg.gather [hbm4b:s5+s2], $0x80, v3, vm0, $0xb8;
	[tilespmem:$0x10100] =	vst v63  }
0x76: {  	s17 =	simm.s32 $0xF800  }
0x77: {  	[tilespmem:s17], [sflag:$0x1] =	stream.indirect_vreg.gather [hbm4b:s6+s2], $0x80, v3, vm0, $0xb8;
	[tilespmem:$0x10100] =	vst v63  }
0x78: {  	_ =	swait.ge [sflag:s8], $0x8000  }
0x79: {  	[sflag:s8] =	ssyncset.done $0x0  }
0x7a: {  	[sflag:s8] =	ssyncadd.s32 $0xFFFF8000  }
0x7b: {  	_ =	swait.ge [sflag:s8], $0x8000  }
0x7c: {  	[sflag:s8] =	ssyncset.done $0x0  }
0x7d: {  	s16 =	rddreg [dreg:$0x5];
	[sflag:s8] =	ssyncadd.s32 $0xFFFF8000  }
0x7e: {  	[hbm4b:s16+s2] =	stream.linear.scatter [tilespmem:s2], [sflag:$0x1], $0x8000, $0x38;
	[tilespmem:$0x10100] =	vst v63  }
0x7f: {  	s17 =	rddreg [dreg:$0x6]  }
0x80: {  	[hbm4b:s17+s2] =	stream.linear.scatter [tilespmem:s0], [sflag:$0x1], $0x8000, $0x38;
	[tilespmem:$0x10100] =	vst v63  }
0x81: {  	_ =	swait.ge [sflag:s8], $0x8000  }
0x82: {  	[sflag:s8] =	ssyncset.done $0x0  }
0x83: {  	[sflag:s8] =	ssyncadd.s32 $0xFFFF8000  }
0x84: {  	_ =	swait.ge [sflag:s8], $0x8000  }
0x85: {  	[sflag:s8] =	ssyncset.done $0x0  }
0x86: {  	[sflag:s8] =	ssyncadd.s32 $0xFFFF8000  }
0x87: {  	v3 =	vld [tilespmem:$0x10020];
	_ =	sdelay $0x4  }
0x88: {  	v60 =	vshll.u32 v3, $0x3  }
0x89: {  	v3 =	vand.u32 $0x7, v3;
	v4 =	vand.u32 $0xFFFFFFC0, v60  }
0x8a: {  	v3 =	vor.u32 v3, v4  }
0x8b: {  	v4 =	vperm.xlane v3, v0;
	_ =	sdelay $0x1  }
0x8c: {  	v4 =	vadd.s32 v1, v4;
	_ =	sdelay $0x4  }
0x8d: {  	[tilespmem:s2], [sflag:$0x1] =	stream.indirect_vreg.gather [hbm4b:s3+s2], $0x80, v4, vm0, $0xb8;
	[tilespmem:$0x10100] =	vst v63  }
0x8e: {  	v3 =	vperm.xlane v3, v2  }
0x8f: {  	[tilespmem:s18], [sflag:$0x1] =	stream.indirect_vreg.gather [hbm4b:s4+s2], $0x80, v4, vm0, $0xb8;
	[tilespmem:$0x10100] =	vst v63  }
0x90: {  	v3 =	vadd.s32 v1, v3  }
0x91: {  	[tilespmem:s19], [sflag:$0x1] =	stream.indirect_vreg.gather [hbm4b:s5+s2], $0x80, v4, vm0, $0xb8;
	[tilespmem:$0x10100] =	vst v63  }
0x92: {  	_ = 	snop  }
0x93: {  	[tilespmem:s20], [sflag:$0x1] =	stream.indirect_vreg.gather [hbm4b:s6+s2], $0x80, v4, vm0, $0xb8;
	[tilespmem:$0x10100] =	vst v63  }
0x94: {  	_ = 	snop  }
0x95: {  	[tilespmem:s21], [sflag:$0x1] =	stream.indirect_vreg.gather [hbm4b:s3+s2], $0x80, v3, vm0, $0xb8;
	[tilespmem:$0x10100] =	vst v63  }
0x96: {  	_ = 	snop  }
0x97: {  	[tilespmem:s22], [sflag:$0x1] =	stream.indirect_vreg.gather [hbm4b:s4+s2], $0x80, v3, vm0, $0xb8;
	[tilespmem:$0x10100] =	vst v63  }
0x98: {  	_ = 	snop  }
0x99: {  	[tilespmem:s23], [sflag:$0x1] =	stream.indirect_vreg.gather [hbm4b:s5+s2], $0x80, v3, vm0, $0xb8;
	[tilespmem:$0x10100] =	vst v63  }
0x9a: {  	_ = 	snop  }
0x9b: {  	[tilespmem:s25], [sflag:$0x1] =	stream.indirect_vreg.gather [hbm4b:s6+s2], $0x80, v3, vm0, $0xb8;
	[tilespmem:$0x10100] =	vst v63  }
0x9c: {  	v3 =	vld [tilespmem:$0x10030];
	_ =	sdelay $0x4  }
0x9d: {  	v61 =	vshll.u32 v3, $0x3  }
0x9e: {  	v3 =	vand.u32 $0x7, v3;
	v4 =	vand.u32 $0xFFFFFFC0, v61  }
0x9f: {  	v3 =	vor.u32 v3, v4  }
0xa0: {  	v4 =	vperm.xlane v3, v0;
	_ =	sdelay $0x1  }
0xa1: {  	v4 =	vadd.s32 v1, v4;
	_ =	sdelay $0x4  }
0xa2: {  	[tilespmem:s26], [sflag:$0x1] =	stream.indirect_vreg.gather [hbm4b:s3+s2], $0x80, v4, vm0, $0xb8;
	[tilespmem:$0x10100] =	vst v63  }
0xa3: {  	v3 =	vperm.xlane v3, v2  }
0xa4: {  	[tilespmem:s28], [sflag:$0x1] =	stream.indirect_vreg.gather [hbm4b:s4+s2], $0x80, v4, vm0, $0xb8;
	[tilespmem:$0x10100] =	vst v63  }
0xa5: {  	v3 =	vadd.s32 v1, v3  }
0xa6: {  	[tilespmem:s29], [sflag:$0x1] =	stream.indirect_vreg.gather [hbm4b:s5+s2], $0x80, v4, vm0, $0xb8;
	[tilespmem:$0x10100] =	vst v63  }
0xa7: {  	_ = 	snop  }
0xa8: {  	[tilespmem:s30], [sflag:$0x1] =	stream.indirect_vreg.gather [hbm4b:s6+s2], $0x80, v4, vm0, $0xb8;
	[tilespmem:$0x10100] =	vst v63  }
0xa9: {  	_ = 	snop  }
0xaa: {  	[tilespmem:s31], [sflag:$0x1] =	stream.indirect_vreg.gather [hbm4b:s3+s2], $0x80, v3, vm0, $0xb8;
	[tilespmem:$0x10100] =	vst v63  }
0xab: {  	s17 =	simm.s32 $0x6800  }
0xac: {  	[tilespmem:s17], [sflag:$0x1] =	stream.indirect_vreg.gather [hbm4b:s4+s2], $0x80, v3, vm0, $0xb8;
	[tilespmem:$0x10100] =	vst v63  }
0xad: {  	_ = 	snop  }
0xae: {  	[tilespmem:s1], [sflag:$0x1] =	stream.indirect_vreg.gather [hbm4b:s5+s2], $0x80, v3, vm0, $0xb8;
	[tilespmem:$0x10100] =	vst v63  }
0xaf: {  	_ = 	snop  }
0xb0: {  	[tilespmem:s9], [sflag:$0x1] =	stream.indirect_vreg.gather [hbm4b:s6+s2], $0x80, v3, vm0, $0xb8;
	[tilespmem:$0x10100] =	vst v63  }
0xb1: {  	v3 =	vld [tilespmem:$0x100A0];
	_ =	sdelay $0x4  }
0xb2: {  	v62 =	vshll.u32 v3, $0x3  }
0xb3: {  	v3 =	vand.u32 $0x7, v3;
	v4 =	vand.u32 $0xFFFFFFC0, v62  }
0xb4: {  	v3 =	vor.u32 v3, v4  }
0xb5: {  	v4 =	vperm.xlane v3, v0;
	_ =	sdelay $0x1  }
0xb6: {  	v4 =	vadd.s32 v1, v4;
	_ =	sdelay $0x4  }
0xb7: {  	[tilespmem:s0], [sflag:$0x1] =	stream.indirect_vreg.gather [hbm4b:s3+s2], $0x80, v4, vm0, $0xb8;
	[tilespmem:$0x10100] =	vst v63  }
0xb8: {  	v3 =	vperm.xlane v3, v2  }
0xb9: {  	[tilespmem:s10], [sflag:$0x1] =	stream.indirect_vreg.gather [hbm4b:s4+s2], $0x80, v4, vm0, $0xb8;
	[tilespmem:$0x10100] =	vst v63  }
0xba: {  	v3 =	vadd.s32 v1, v3  }
0xbb: {  	[tilespmem:s11], [sflag:$0x1] =	stream.indirect_vreg.gather [hbm4b:s5+s2], $0x80, v4, vm0, $0xb8;
	[tilespmem:$0x10100] =	vst v63  }
0xbc: {  	_ = 	snop  }
0xbd: {  	[tilespmem:s12], [sflag:$0x1] =	stream.indirect_vreg.gather [hbm4b:s6+s2], $0x80, v4, vm0, $0xb8;
	[tilespmem:$0x10100] =	vst v63  }
0xbe: {  	_ = 	snop  }
0xbf: {  	[tilespmem:s13], [sflag:$0x1] =	stream.indirect_vreg.gather [hbm4b:s3+s2], $0x80, v3, vm0, $0xb8;
	[tilespmem:$0x10100] =	vst v63  }
0xc0: {  	_ = 	snop  }
0xc1: {  	[tilespmem:s14], [sflag:$0x1] =	stream.indirect_vreg.gather [hbm4b:s4+s2], $0x80, v3, vm0, $0xb8;
	[tilespmem:$0x10100] =	vst v63  }
0xc2: {  	_ = 	snop  }
0xc3: {  	[tilespmem:s15], [sflag:$0x1] =	stream.indirect_vreg.gather [hbm4b:s5+s2], $0x80, v3, vm0, $0xb8;
	[tilespmem:$0x10100] =	vst v63  }
0xc4: {  	_ = 	snop  }
0xc5: {  	[tilespmem:s24], [sflag:$0x1] =	stream.indirect_vreg.gather [hbm4b:s6+s2], $0x80, v3, vm0, $0xb8;
	[tilespmem:$0x10100] =	vst v63  }
0xc6: {  	v3 =	vld [tilespmem:$0x100B0];
	_ =	sdelay $0x4  }
0xc7: {  	v63 =	vshll.u32 v3, $0x3  }
0xc8: {  	v3 =	vand.u32 $0x7, v3;
	v4 =	vand.u32 $0xFFFFFFC0, v63  }
0xc9: {  	v3 =	vor.u32 v3, v4  }
0xca: {  	v4 =	vperm.xlane v3, v0;
	_ =	sdelay $0x1  }
0xcb: {  	v4 =	vadd.s32 v1, v4;
	_ =	sdelay $0x3  }
0xcc: {  	s18 =	simm.s32 $0xC000  }
0xcd: {  	[tilespmem:s18], [sflag:$0x1] =	stream.indirect_vreg.gather [hbm4b:s3+s2], $0x80, v4, vm0, $0xb8;
	[tilespmem:$0x10100] =	vst v63  }
0xce: {  	s19 =	simm.s32 $0xC800;
	v3 =	vperm.xlane v3, v2  }
0xcf: {  	[tilespmem:s19], [sflag:$0x1] =	stream.indirect_vreg.gather [hbm4b:s4+s2], $0x80, v4, vm0, $0xb8;
	[tilespmem:$0x10100] =	vst v63  }
0xd0: {  	s16 =	simm.s32 $0xD000;
	v3 =	vadd.s32 v1, v3  }
0xd1: {  	[tilespmem:s16], [sflag:$0x1] =	stream.indirect_vreg.gather [hbm4b:s5+s2], $0x80, v4, vm0, $0xb8;
	[tilespmem:$0x10100] =	vst v63  }
0xd2: {  	s17 =	simm.s32 $0xD800  }
0xd3: {  	[tilespmem:s17], [sflag:$0x1] =	stream.indirect_vreg.gather [hbm4b:s6+s2], $0x80, v4, vm0, $0xb8;
	[tilespmem:$0x10100] =	vst v63  }
0xd4: {  	s18 =	simm.s32 $0xE000  }
0xd5: {  	[tilespmem:s18], [sflag:$0x1] =	stream.indirect_vreg.gather [hbm4b:s3+s2], $0x80, v3, vm0, $0xb8;
	[tilespmem:$0x10100] =	vst v63  }
0xd6: {  	s19 =	simm.s32 $0xE800  }
0xd7: {  	[tilespmem:s19], [sflag:$0x1] =	stream.indirect_vreg.gather [hbm4b:s4+s2], $0x80, v3, vm0, $0xb8;
	[tilespmem:$0x10100] =	vst v63  }
0xd8: {  	s16 =	simm.s32 $0xF000  }
0xd9: {  	[tilespmem:s16], [sflag:$0x1] =	stream.indirect_vreg.gather [hbm4b:s5+s2], $0x80, v3, vm0, $0xb8;
	[tilespmem:$0x10100] =	vst v63  }
0xda: {  	s17 =	simm.s32 $0xF800  }
0xdb: {  	[tilespmem:s17], [sflag:$0x1] =	stream.indirect_vreg.gather [hbm4b:s6+s2], $0x80, v3, vm0, $0xb8;
	[tilespmem:$0x10100] =	vst v63  }
0xdc: {  	_ =	swait.ge [sflag:s8], $0x8000  }
0xdd: {  	[sflag:s8] =	ssyncset.done $0x0  }
0xde: {  	[sflag:s8] =	ssyncadd.s32 $0xFFFF8000  }
0xdf: {  	_ =	swait.ge [sflag:s8], $0x8000  }
0xe0: {  	[sflag:s8] =	ssyncset.done $0x0  }
0xe1: {  	s18 =	rddreg [dreg:$0x7];
	[sflag:s8] =	ssyncadd.s32 $0xFFFF8000  }
0xe2: {  	[hbm4b:s18+s2] =	stream.linear.scatter [tilespmem:s2], [sflag:$0x1], $0x8000, $0x38;
	[tilespmem:$0x10100] =	vst v63  }
0xe3: {  	s19 =	rddreg [dreg:$0x8]  }
0xe4: {  	[hbm4b:s19+s2] =	stream.linear.scatter [tilespmem:s0], [sflag:$0x1], $0x8000, $0x38;
	[tilespmem:$0x10100] =	vst v63  }
0xe5: {  	p0 =	sne.s32 s7, $0x1;
	_ =	swait.ge [sflag:s8], $0x8000  }
.Ltmp0:
0xe6: {  	[sflag:s8] =	ssyncset.done $0x0;
	(pc) =	sbr.rel @p0 .LBB2_1-.Ltmp0, $4  }
0xe7: {  	[sflag:s8] =	ssyncadd.s32 $0xFFFF8000  }
0xe8: {  	_ =	swait.ge [sflag:s8], $0x8000  }
0xe9: {  	[sflag:s8] =	ssyncset.done $0x0  }
0xea: {  	s7 =	sadd.s32 $0xFFFFFFFF, s7;
	[sflag:s8] =	ssyncadd.s32 $0xFFFF8000  }
0xeb: {  	_ =	sfence.sel $0x180000  }
0xec: {  	[bflag:$0x0] =	sbarrier.arrive $0xFFFF  }
0xed: {  	_ =	strace $0x9000004A  }
0xee: {  	s0 =	stileid.u32;
	[bflag:$0x2] =	sbarrier.arrive $0xFFFF  }
0xef: {  	p0 =	sne.s32 s0, $0x0;
	s0 =	rddreg [dreg:$0x2]  }
0xf0: {  	s0 =	sadd.s32 @!p0 $0x100000, s0  }
0xf1: {  	[sflag:s0] =	ssyncadd.tile.s32 @!p0 $0x1;
	_ =	shalt  }
.Lfunc_end2:
_tile_overlayer_lowered:
.L_overlay_start_2:
0xf2: {  	(tag) =	ssettag $0x2  }
0xf3: {  	s0 =	rddreg [dreg:$0x0];
	s2 =	stileid.u32  }
0xf4: {  	s1 =	rddreg [dreg:$0x1];
	p0 =	sne.s32 s2, $0x0  }
0xf5: {  	s3 =	rddreg [dreg:$0x2];
	[bflag:$0x3] =	sbarrier.arrive $0xFFFF;
	s2 =	simm.s32 @!p0 $0x1C02  }
0xf6: {  	[timem:s3], [sflag:s2] =	dma.local @!p0 [hbm:s0], s1  }
0xf7: {  	s0 =	simm.s32 @!p0 $0x2  }
0xf8: {  	_ =	swait.ge @!p0 [sflag:s0], s1  }
0xf9: {  	s1 =	ssub.s32 @!p0 $0x0, s1;
	[sflag:s0] =	ssyncset.done @!p0 $0x0  }
0xfa: {  	[sflag:s0] =	ssyncadd.s32 @!p0 s1  }
0xfb: {  	[bflag:$0x3] =	sbarrier.arrive $0xFFFF  }
0xfc: {  	_ =	shalt  }

// kernel: kernel.8.cloned.1.call-start
scs
__scs_entry_jumppad:
0x0: {  	(pc) =	sbr.rel $0x88, $3  }
0x1: {  	(tag) =	ssettag $0x0;
	lr =	simm.s32 $0x1  }
0x2: {  	[smem:$0x3F98] =	sst lr;
	_ =	strace $0xD0000000  }
0x3: {  	_ = 	snop  }
0x4: {  	_ = 	snop  }
0x5: {  	_ = 	snop  }
0x6: {  	_ = 	snop  }
0x7: {  	_ = 	snop  }
__scs_overlays_trampoline_lowered:
0x8: {  	[smem:$0x3FA7] =	sst s0  }
0x9: {  	[smem:$0x3FA8] =	sst s1  }
0xa: {  	[smem:$0x3FA9] =	sst s2  }
0xb: {  	[smem:$0x3FAA] =	sst s3  }
0xc: {  	[smem:$0x3FAB] =	sst s4  }
0xd: {  	[smem:$0x3FAC] =	sst s5  }
0xe: {  	[smem:$0x3FAD] =	sst s6  }
0xf: {  	[smem:$0x3FAE] =	sst s7  }
0x10: {  	[smem:$0x3FAF] =	sst s8  }
0x11: {  	[smem:$0x3FB0] =	sst s9;
	s0 =	simm.s32 @!p0 $0x0  }
0x12: {  	s1 =	sld [smem:$0x3F96];
	s0 =	simm.s32 @p0 $0x1  }
0x13: {  	[smem:$0x3FB1] =	sst s0;
	s0 =	simm.s32 @!p1 $0x0  }
0x14: {  	s2 =	sld [smem:$0x3F95];
	s0 =	simm.s32 @p1 $0x1  }
0x15: {  	[smem:$0x3FB2] =	sst s0;
	s0 =	simm.s32 @!p2 $0x0  }
0x16: {  	s3 =	sld [smem:$0x3FDB];
	s0 =	simm.s32 @p2 $0x1  }
0x17: {  	s4 =	simm.s32 $0x1BF5;
	[smem:$0x3FB4] =	sst s0  }
0x18: {  	s0 =	sld [smem:$0x3F97];
	_ =	swait.ge [sflag:s4], $0x0  }
0x19: {  	s7 =	sld [smem:$0x3F98]  }
0x1a: {  	s8 =	sadd.s32 $0xFFFFE003, lr  }
0x1b: {  	s9 =	sadd.s32 $0xFFFFFEF7, lr;
	s5 =	simm.s32 $0xFFFFFFFF;
	p2 =	slt.u32 s8, $0xFFFFF086  }
0x1c: {  	p1 =	slt.u32 s9, $0xF7A;
	s5 =	simm.s32 @!p2 $0x0  }
0x1d: {  	s5 =	simm.s32 @p1 $0x1;
	p0 =	seq.s32 s7, s2  }
0x1e: {  	s7 =	smul.u32 @!p0 $0xF7A, s2;
	p2 =	seq.s32 @!p0 s5, $0x0  }
0x1f: {  	s9 =	smul.u32 $0xF7A, s1;
	s8 =	simm.s32 @!p0 $0x1BF5;
	p2 =	por !p2, p0  }
0x20: {  	[sflag:s8] =	ssyncset.s32 @!p0 $0xFFFFF086;
	s6 =	sadd.s32 @!p0 s3, s7;
	s7 =	simm.s32 @!p0 $0x108  }
0x21: {  	s3 =	sadd.s32 s3, s9;
	s6 =	sadd.s32 @!p0 $0x88, s6;
	s7 =	simm.s32 @p2 $0x1082  }
0x22: {  	[simem:s7], [sflag:s8] =	dma.local @!p0 [hbm:s6], $0xF7A  }
0x23: {  	s9 =	sor.u32 $0xD0000000, s2;
	s6 =	simm.s32 $0x108;
	_ =	swait.ge @!p0 [sflag:s8], $0x0  }
0x24: {  	s3 =	sadd.s32 $0x88, s3;
	s6 =	simm.s32 @!p1 $0x1082;
	[sflag:s4] =	ssyncset.s32 $0xFFFFF086  }
0x25: {  	[simem:s6], [sflag:s4] =	dma.local [hbm:s3], $0xF7A  }
0x26: {  	[smem:$0x3F98] =	sst s1;
	(tag) =	ssettag s2;
	_ =	strace s9  }
0x27: {  	s1 =	sld [smem:$0x3FA8]  }
0x28: {  	s2 =	sld [smem:$0x3FA9]  }
0x29: {  	s4 =	sld [smem:$0x3FAB]  }
0x2a: {  	p0 =	seq.s32 s5, $0x0;
	s5 =	sld [smem:$0x3FAC]  }
0x2b: {  	s6 =	sld [smem:$0x3FAD]  }
0x2c: {  	s7 =	sld [smem:$0x3FAE]  }
0x2d: {  	s3 =	simm.s32 $0x108;
	s8 =	sld [smem:$0x3FAF]  }
0x2e: {  	s3 =	simm.s32 @!p0 $0x1082;
	s9 =	sld [smem:$0x3FB0]  }
0x2f: {  	lr =	sadd.s32 s0, s3;
	s0 =	sld [smem:$0x3FA7]  }
0x30: {  	s3 =	sld [smem:$0x3FAA]  }
0x31: {  	[smem:$0x3FB3] =	sst s10  }
0x32: {  	s10 =	sld [smem:$0x3FB1];
	_ =	sdelay $0x3  }
0x33: {  	p0 =	seq.s32 s10, $0x1;
	s10 =	sld [smem:$0x3FB3];
	_ =	sdelay $0x3  }
0x34: {  	[smem:$0x3FB3] =	sst s10  }
0x35: {  	s10 =	sld [smem:$0x3FB2];
	_ =	sdelay $0x3  }
0x36: {  	p1 =	seq.s32 s10, $0x1;
	s10 =	sld [smem:$0x3FB3];
	_ =	sdelay $0x3  }
0x37: {  	[smem:$0x3FB3] =	sst s10  }
0x38: {  	s10 =	sld [smem:$0x3FB4]  }
0x39: {  	_ = 	snop;
	(pc) =	sbr.ind lr, $3  }
0x3a: {  	_ = 	snop  }
0x3b: {  	_ = 	snop  }
0x3c: {  	p2 =	seq.s32 s10, $0x1;
	s10 =	sld [smem:$0x3FB3]  }
0x3d: {  	_ =	shalt  }
0x3e: {  	_ =	shalt  }
0x3f: {  	_ =	shalt  }
0x40: {  	_ =	shalt  }
0x41: {  	_ =	shalt  }
0x42: {  	_ =	shalt  }
0x43: {  	_ =	shalt  }
0x44: {  	_ =	shalt  }
0x45: {  	_ =	shalt  }
0x46: {  	_ =	shalt  }
0x47: {  	_ =	shalt  }
0x48: {  	_ =	shalt  }
0x49: {  	_ =	shalt  }
0x4a: {  	_ =	shalt  }
0x4b: {  	_ =	shalt  }
0x4c: {  	_ =	shalt  }
0x4d: {  	_ =	shalt  }
0x4e: {  	_ =	shalt  }
0x4f: {  	_ =	shalt  }
0x50: {  	_ =	shalt  }
0x51: {  	_ =	shalt  }
0x52: {  	_ =	shalt  }
0x53: {  	_ =	shalt  }
0x54: {  	_ =	shalt  }
0x55: {  	_ =	shalt  }
0x56: {  	_ =	shalt  }
0x57: {  	_ =	shalt  }
0x58: {  	_ =	shalt  }
0x59: {  	_ =	shalt  }
0x5a: {  	_ =	shalt  }
0x5b: {  	_ =	shalt  }
0x5c: {  	_ =	shalt  }
0x5d: {  	_ =	shalt  }
0x5e: {  	_ =	shalt  }
0x5f: {  	_ =	shalt  }
0x60: {  	_ =	shalt  }
0x61: {  	_ =	shalt  }
0x62: {  	_ =	shalt  }
0x63: {  	_ =	shalt  }
0x64: {  	_ =	shalt  }
0x65: {  	_ =	shalt  }
0x66: {  	_ =	shalt  }
0x67: {  	_ =	shalt  }
0x68: {  	_ =	shalt  }
0x69: {  	_ =	shalt  }
0x6a: {  	_ =	shalt  }
0x6b: {  	_ =	shalt  }
0x6c: {  	_ =	shalt  }
0x6d: {  	_ =	shalt  }
0x6e: {  	_ =	shalt  }
0x6f: {  	_ =	shalt  }
0x70: {  	_ =	shalt  }
0x71: {  	_ =	shalt  }
0x72: {  	_ =	shalt  }
0x73: {  	_ =	shalt  }
0x74: {  	_ =	shalt  }
0x75: {  	_ =	shalt  }
0x76: {  	_ =	shalt  }
0x77: {  	_ =	shalt  }
0x78: {  	_ =	shalt  }
0x79: {  	_ =	shalt  }
0x7a: {  	_ =	shalt  }
0x7b: {  	_ =	shalt  }
0x7c: {  	_ =	shalt  }
0x7d: {  	_ =	shalt  }
0x7e: {  	_ =	shalt  }
0x7f: {  	_ =	shalt  }
0x80: {  	_ =	shalt  }
0x81: {  	_ =	shalt  }
0x82: {  	_ =	shalt  }
0x83: {  	_ =	shalt  }
0x84: {  	_ =	shalt  }
0x85: {  	_ =	shalt  }
0x86: {  	_ =	shalt  }
0x87: {  	_ =	shalt  }
.Lfunc_end0:
.L_simem_size_0:
called_computation_lowered:
.L_overlay_start_0:
0x88: {  	s2 =	sld [smem:$0x3FD9]  }
0x89: {  	s3 =	sld [smem:$0x3FFE];
	_ =	sdelay $0x1  }
0x8a: {  	s1 =	srdreg.scid  }
0x8b: {  	s0 =	sand.u32 $0x1, s1  }
0x8c: {  	s17 =	sshll.u32 s0, $0xA;
	s2 =	sadd.s32 s3, s2  }
0x8d: {  	s2 =	sadd.s32 s2, s17  }
0x8e: {  	[smem:$0x3FBF] =	sst s2  }
0x8f: {  	_ = 	snop  }
0x90: {  	s2 =	sld [smem:$0x3FC9];
	(tm) =	ssettm $0x1  }
0x91: {  	s18 =	sld [smem:$0x3FFB];
	_ =	sdelay $0x3  }
0x92: {  	_ =	strace s18  }
0x93: {  	s3 =	sld [smem:$0x3FFC];
	_ =	sdelay $0x3  }
0x94: {  	_ =	strace s3  }
0x95: {  	s3 =	sld [smem:$0x3FFD];
	_ =	sdelay $0x3  }
0x96: {  	_ =	strace s3  }
0x97: {  	_ =	strace $0x8FFFFFFF  }
0x98: {  	s19 =	sld [smem:$0x3FDB];
	_ =	sdelay $0x1  }
0x99: {  	s4 =	simm.s32 $_scs_section_size  }
0x9a: {  	s5 =	simm.s32 $_size__tile_overlayer_lowered;
	s6 =	simm.s32 $_tile_overlayer_lowered  }
0x9b: {  	s22 =	simm.s32 $0x1BFF;
	s21 =	sshll.u32 s6, $0x1;
	s3 =	sadd.s32 s4, s19  }
0x9c: {  	s7 =	simm.s32 $0x0;
	s20 =	sshll.u32 s5, $0x1;
	s5 =	sadd.s32 s21, s3  }
0x9d: {  	[timem:s7], [sflag:s22] =	dma.local [hbm:s5], s20  }
0x9e: {  	_ =	swait.ge [sflag:s22], s20  }
0x9f: {  	s4 =	ssub.s32 $0x0, s20;
	[sflag:s22] =	ssyncset.done $0x0  }
0xa0: {  	[sflag:s22] =	ssyncadd.s32 s4;
	_ =	sdelay $0x1  }
0xa1: {  	s23 =	simm.s32 $0x1B8B  }
0xa2: {  	_ =	swait.ge [sflag:s23], $0x1  }
0xa3: {  	[sflag:s23] =	ssyncset.done $0x0  }
0xa4: {  	s25 =	simm.s32 $0x1B8E;
	s24 =	sld [smem:$0x3FFE];
	[sflag:s23] =	ssyncadd.s32 $0xFFFFFFFF  }
0xa5: {  	s26 =	simm.s32 $execute0_lowered;
	[smem:$0x3FD2] =	sst s25  }
0xa6: {  	s5 =	sshll.u32 s26, $0x1;
	_ =	strace $0x80000046;
	[dreg:$0x1] =	wrdreg $0xFFFFFFFF  }
0xa7: {  	s28 =	simm.s32 $_size_execute0_lowered;
	s3 =	sadd.s32 s3, s5;
	[dreg:$0x0] =	wrdreg $0x0  }
0xa8: {  	s5 =	sshll.u32 s28, $0x1;
	[dreg:$0x2] =	wrdreg s3  }
0xa9: {  	[dreg:$0x3] =	wrdreg s5  }
0xaa: {  	[dreg:$0x4] =	wrdreg $0xC0  }
0xab: {  	_ =	task [dreg:s7], $0x5FFFF  }
0xac: {  	[dreg:$0x1] =	wrdreg $0xFFFFFFFF  }
0xad: {  	[dreg:$0x0] =	wrdreg $0x60  }
0xae: {  	[dreg:$0x2] =	wrdreg s2  }
0xaf: {  	[dreg:$0x3] =	wrdreg s24  }
0xb0: {  	[dreg:$0x4] =	wrdreg $0x9  }
0xb1: {  	_ =	task.clear_ibuf [dreg:s7], $0x5FFFF;
	_ =	strace $0x90000046  }
0xb2: {  	s29 =	simm.s32 $0x9;
	_ =	strace $0x80000048  }
0xb3: {  	_ =	swait.ge [sflag:s29], $0x1  }
0xb4: {  	[sflag:s29] =	ssyncadd.s32 $0xFFFFFFFF  }
0xb5: {  	_ =	strace $0x90000048  }
0xb6: {  	_ =	sfence  }
0xb7: {  	s30 =	sld [smem:$0x0];
	_ =	sdelay $0x2  }
0xb8: {  	s31 =	sshll.u32 s1, $0xD;
	s1 =	sshrl.u32 s1, $0x2  }
0xb9: {  	s3 =	sand.u32 $0x4000, s31;
	s1 =	sadd.s32 s1, s30  }
0xba: {  	s0 =	sor.u32 s3, s0;
	s1 =	sshll.u32 s1, $0x11  }
0xbb: {  	s0 =	sor.u32 s1, s0  }
0xbc: {  	s0 =	sadd.s32 $0x8F2B, s0  }
0xbd: {  	[sflag:s0] =	ssyncadd.remote.s32 $0x1  }
0xbe: {  	_ =	sfence.sel $0xFFFF  }
0xbf: {  	[dreg:$0x0] =	wrdreg $0xFFFFFFFF;
	(pc) =	sbr.abs _section_cstart, $3  }
0xc0: {  	[dreg:$0x1] =	wrdreg $0xFFFFFFFF  }
0xc1: {  	_ =	task.clear_ibuf [dreg:s7], $0x2FFFF;
	_ =	strace $0x9FFFFFFF  }
0xc2: {  	(tm) =	ssettm $0x7FFFFFFF  }
0xc3: {  	_ =	shalt  }
tec
execute0_lowered:
.L_overlay_start_1:
0x0: {  	(tag) =	ssettag $0x1  }
0x1: {  	s0 =	srdreg.scid;
	s1 =	rddreg [dreg:$0x0]  }
0x2: {  	s2 =	stileid.u32;
	s6 =	rddreg [dreg:$0x1]  }
0x3: {  	s25 =	simm.s32 $0x10000;
	s26 =	simm.s32 $0x10080;
	s8 =	simm.s32 $0x1  }
0x4: {  	s20 =	simm.s32 $0x2800;
	s21 =	simm.s32 $0x3000;
	s22 =	simm.s32 $0x3800  }
0x5: {  	s23 =	simm.s32 $0x4000;
	s28 =	simm.s32 $0x6000;
	s29 =	simm.s32 $0x6800  }
0x6: {  	s30 =	simm.s32 $0x7000;
	s31 =	simm.s32 $0x7800;
	s9 =	simm.s32 $0x9000  }
0x7: {  	s10 =	simm.s32 $0x9800;
	s11 =	simm.s32 $0xA000;
	s12 =	simm.s32 $0xA800  }
0x8: {  	s13 =	simm.s32 $0xB000;
	s14 =	simm.s32 $0xB800;
	s15 =	simm.s32 $0xC000  }
0x9: {  	s0 =	sand.u32 $0x1, s0;
	s3 =	sshll.u32 s2, $0x7;
	s2 =	simm.s32 $0x0  }
0xa: {  	s4 =	sshll.u32 s0, $0x6;
	[smem:$0x7FF] =	sst s2;
	s0 =	ssub.s32 $0x2, s0  }
0xb: {  	s4 =	sor.u32 s4, s3;
	_ =	strace $0x80000047;
	[dreg:$0x6] =	wrdreg s25  }
0xc: {  	s24 =	sshrl.u32 s0, $0x1;
	[dreg:$0x7] =	wrdreg s26;
	s25 =	simm.s32 $0x5000  }
0xd: {  	s26 =	simm.s32 $0x5800;
	s3 =	sshrl.u32 s4, $0x3;
	s4 =	sshll.u32 s4, $0x7  }
0xe: {  	s0 =	ssub.s32 s0, s24;
	s5 =	sadd.s32 s3, s6;
	s1 =	sadd.s32 s1, s4  }
0xf: {  	s24 =	simm.s32 $0x4800;
	s7 =	sadd.s32 $0x10800, s5;
	[dreg:$0x5] =	wrdreg s1  }
0x10: {  	v2 =	vlaneseq.u32;
	s3 =	sadd.s32 $0x10C00, s6;
	s5 =	sadd.s32 $0x10A00, s5;
	[dreg:$0x3] =	wrdreg s7  }
0x11: {  	vm0 =	vmmov $0xffff;
	v1 =	vshrl.u32 v2, $0x3;
	s4 =	sadd.s32 $0x10D00, s6;
	s1 =	simm.s32 $0x8000;
	[dreg:$0x4] =	wrdreg s5  }
0x12: {  	v0 =	vand.u32 $0x7, v2;
	v2 =	vor.u32 $0x8, v2;
	v1 =	vmul.u32 $0x8, v1;
	s5 =	sadd.s32 $0x10E00, s6;
	s6 =	sadd.s32 $0x10F00, s6;
	s7 =	smax.u32 s0, $0x1  }
.LBB2_1:
0x13: {  	s16 =	rddreg [dreg:$0x3]  }
0x14: {  	s17 =	rddreg [dreg:$0x6]  }
0x15: {  	s18 =	rddreg [dreg:$0x4]  }
0x16: {  	[tilespmem:s17], [sflag:$0x1] =	stream.linear.gather [hbm4b:s16+s2], $0x40, $0x38;
	[tilespmem:$0x10100] =	vst v63  }
0x17: {  	s19 =	rddreg [dreg:$0x7]  }
0x18: {  	[tilespmem:s19], [sflag:$0x1] =	stream.linear.gather [hbm4b:s18+s2], $0x40, $0x38;
	[tilespmem:$0x10100] =	vst v63  }
0x19: {  	s0 =	rddreg [dreg:$0x5]  }
0x1a: {  	[tilespmem:s2], [sflag:$0x1] =	stream.linear.gather [hbm4b:s0+s2], $0x10000, $0x38;
	[tilespmem:$0x10100] =	vst v63  }
0x1b: {  	_ =	swait.ge [sflag:s8], $0x40  }
0x1c: {  	[sflag:s8] =	ssyncset.done $0x0  }
0x1d: {  	[sflag:s8] =	ssyncadd.s32 $0xFFFFFFC0  }
0x1e: {  	_ =	swait.ge [sflag:s8], $0x40  }
0x1f: {  	[sflag:s8] =	ssyncset.done $0x0  }
0x20: {  	[sflag:s8] =	ssyncadd.s32 $0xFFFFFFC0  }
0x21: {  	_ =	swait.ge [sflag:s8], $0x10000  }
0x22: {  	[sflag:s8] =	ssyncset.done $0x0  }
0x23: {  	[sflag:s8] =	ssyncadd.s32 $0xFFFF0000  }
0x24: {  	v3 =	vld [tilespmem:$0x10000];
	_ =	sdelay $0x4  }
0x25: {  	v4 =	vshll.u32 v3, $0x3  }
0x26: {  	v3 =	vand.u32 $0x7, v3;
	v4 =	vand.u32 $0xFFFFFFC0, v4  }
0x27: {  	v3 =	vor.u32 v3, v4  }
0x28: {  	v4 =	vperm.xlane v3, v0;
	_ =	sdelay $0x1  }
0x29: {  	v4 =	vadd.s32 v1, v4;
	_ =	sdelay $0x4  }
0x2a: {  	[hbm4b:s3+s2] =	stream.indirect_vreg.scatter [tilespmem:s2], [sflag:$0x1], $0x80, v4, vm0, $0xb8;
	[tilespmem:$0x10100] =	vst v63  }
0x2b: {  	s16 =	simm.s32 $0x800;
	v3 =	vperm.xlane v3, v2  }
0x2c: {  	[hbm4b:s4+s2] =	stream.indirect_vreg.scatter [tilespmem:s16], [sflag:$0x1], $0x80, v4, vm0, $0xb8;
	[tilespmem:$0x10100] =	vst v63  }
0x2d: {  	s17 =	simm.s32 $0x1000;
	v3 =	vadd.s32 v1, v3  }
0x2e: {  	[hbm4b:s5+s2] =	stream.indirect_vreg.scatter [tilespmem:s17], [sflag:$0x1], $0x80, v4, vm0, $0xb8;
	[tilespmem:$0x10100] =	vst v63  }
0x2f: {  	s18 =	simm.s32 $0x1800  }
0x30: {  	[hbm4b:s6+s2] =	stream.indirect_vreg.scatter [tilespmem:s18], [sflag:$0x1], $0x80, v4, vm0, $0xb8;
	[tilespmem:$0x10100] =	vst v63  }
0x31: {  	s19 =	simm.s32 $0x2000  }
0x32: {  	[hbm4b:s3+s2] =	stream.indirect_vreg.scatter [tilespmem:s19], [sflag:$0x1], $0x80, v3, vm0, $0xb8;
	[tilespmem:$0x10100] =	vst v63  }
0x33: {  	_ = 	snop  }
0x34: {  	[hbm4b:s4+s2] =	stream.indirect_vreg.scatter [tilespmem:s20], [sflag:$0x1], $0x80, v3, vm0, $0xb8;
	[tilespmem:$0x10100] =	vst v63  }
0x35: {  	_ = 	snop  }
0x36: {  	[hbm4b:s5+s2] =	stream.indirect_vreg.scatter [tilespmem:s21], [sflag:$0x1], $0x80, v3, vm0, $0xb8;
	[tilespmem:$0x10100] =	vst v63  }
0x37: {  	_ = 	snop  }
0x38: {  	[hbm4b:s6+s2] =	stream.indirect_vreg.scatter [tilespmem:s22], [sflag:$0x1], $0x80, v3, vm0, $0xb8;
	[tilespmem:$0x10100] =	vst v63  }
0x39: {  	v3 =	vld [tilespmem:$0x10010];
	_ =	sdelay $0x4  }
0x3a: {  	v57 =	vshll.u32 v3, $0x3  }
0x3b: {  	v3 =	vand.u32 $0x7, v3;
	v4 =	vand.u32 $0xFFFFFFC0, v57  }
0x3c: {  	v3 =	vor.u32 v3, v4  }
0x3d: {  	v4 =	vperm.xlane v3, v0;
	_ =	sdelay $0x1  }
0x3e: {  	v4 =	vadd.s32 v1, v4;
	_ =	sdelay $0x4  }
0x3f: {  	[hbm4b:s3+s2] =	stream.indirect_vreg.scatter [tilespmem:s23], [sflag:$0x1], $0x80, v4, vm0, $0xb8;
	[tilespmem:$0x10100] =	vst v63  }
0x40: {  	v3 =	vperm.xlane v3, v2  }
0x41: {  	[hbm4b:s4+s2] =	stream.indirect_vreg.scatter [tilespmem:s24], [sflag:$0x1], $0x80, v4, vm0, $0xb8;
	[tilespmem:$0x10100] =	vst v63  }
0x42: {  	v3 =	vadd.s32 v1, v3  }
0x43: {  	[hbm4b:s5+s2] =	stream.indirect_vreg.scatter [tilespmem:s25], [sflag:$0x1], $0x80, v4, vm0, $0xb8;
	[tilespmem:$0x10100] =	vst v63  }
0x44: {  	_ = 	snop  }
0x45: {  	[hbm4b:s6+s2] =	stream.indirect_vreg.scatter [tilespmem:s26], [sflag:$0x1], $0x80, v4, vm0, $0xb8;
	[tilespmem:$0x10100] =	vst v63  }
0x46: {  	_ = 	snop  }
0x47: {  	[hbm4b:s3+s2] =	stream.indirect_vreg.scatter [tilespmem:s28], [sflag:$0x1], $0x80, v3, vm0, $0xb8;
	[tilespmem:$0x10100] =	vst v63  }
0x48: {  	_ = 	snop  }
0x49: {  	[hbm4b:s4+s2] =	stream.indirect_vreg.scatter [tilespmem:s29], [sflag:$0x1], $0x80, v3, vm0, $0xb8;
	[tilespmem:$0x10100] =	vst v63  }
0x4a: {  	_ = 	snop  }
0x4b: {  	[hbm4b:s5+s2] =	stream.indirect_vreg.scatter [tilespmem:s30], [sflag:$0x1], $0x80, v3, vm0, $0xb8;
	[tilespmem:$0x10100] =	vst v63  }
0x4c: {  	_ = 	snop  }
0x4d: {  	[hbm4b:s6+s2] =	stream.indirect_vreg.scatter [tilespmem:s31], [sflag:$0x1], $0x80, v3, vm0, $0xb8;
	[tilespmem:$0x10100] =	vst v63  }
0x4e: {  	v3 =	vld [tilespmem:$0x10020];
	_ =	sdelay $0x4  }
0x4f: {  	v58 =	vshll.u32 v3, $0x3  }
0x50: {  	v3 =	vand.u32 $0x7, v3;
	v4 =	vand.u32 $0xFFFFFFC0, v58  }
0x51: {  	v3 =	vor.u32 v3, v4  }
0x52: {  	v4 =	vperm.xlane v3, v0;
	_ =	sdelay $0x1  }
0x53: {  	v4 =	vadd.s32 v1, v4;
	_ =	sdelay $0x4  }
0x54: {  	[hbm4b:s3+s2] =	stream.indirect_vreg.scatter [tilespmem:s1], [sflag:$0x1], $0x80, v4, vm0, $0xb8;
	[tilespmem:$0x10100] =	vst v63  }
0x55: {  	s0 =	simm.s32 $0x8800;
	v3 =	vperm.xlane v3, v2  }
0x56: {  	[hbm4b:s4+s2] =	stream.indirect_vreg.scatter [tilespmem:s0], [sflag:$0x1], $0x80, v4, vm0, $0xb8;
	[tilespmem:$0x10100] =	vst v63  }
0x57: {  	v3 =	vadd.s32 v1, v3  }
0x58: {  	[hbm4b:s5+s2] =	stream.indirect_vreg.scatter [tilespmem:s9], [sflag:$0x1], $0x80, v4, vm0, $0xb8;
	[tilespmem:$0x10100] =	vst v63  }
0x59: {  	_ = 	snop  }
0x5a: {  	[hbm4b:s6+s2] =	stream.indirect_vreg.scatter [tilespmem:s10], [sflag:$0x1], $0x80, v4, vm0, $0xb8;
	[tilespmem:$0x10100] =	vst v63  }
0x5b: {  	_ = 	snop  }
0x5c: {  	[hbm4b:s3+s2] =	stream.indirect_vreg.scatter [tilespmem:s11], [sflag:$0x1], $0x80, v3, vm0, $0xb8;
	[tilespmem:$0x10100] =	vst v63  }
0x5d: {  	_ = 	snop  }
0x5e: {  	[hbm4b:s4+s2] =	stream.indirect_vreg.scatter [tilespmem:s12], [sflag:$0x1], $0x80, v3, vm0, $0xb8;
	[tilespmem:$0x10100] =	vst v63  }
0x5f: {  	_ = 	snop  }
0x60: {  	[hbm4b:s5+s2] =	stream.indirect_vreg.scatter [tilespmem:s13], [sflag:$0x1], $0x80, v3, vm0, $0xb8;
	[tilespmem:$0x10100] =	vst v63  }
0x61: {  	_ = 	snop  }
0x62: {  	[hbm4b:s6+s2] =	stream.indirect_vreg.scatter [tilespmem:s14], [sflag:$0x1], $0x80, v3, vm0, $0xb8;
	[tilespmem:$0x10100] =	vst v63  }
0x63: {  	v3 =	vld [tilespmem:$0x10030];
	_ =	sdelay $0x4  }
0x64: {  	v59 =	vshll.u32 v3, $0x3  }
0x65: {  	v3 =	vand.u32 $0x7, v3;
	v4 =	vand.u32 $0xFFFFFFC0, v59  }
0x66: {  	v3 =	vor.u32 v3, v4  }
0x67: {  	v4 =	vperm.xlane v3, v0;
	_ =	sdelay $0x1  }
0x68: {  	v4 =	vadd.s32 v1, v4;
	_ =	sdelay $0x4  }
0x69: {  	[hbm4b:s3+s2] =	stream.indirect_vreg.scatter [tilespmem:s15], [sflag:$0x1], $0x80, v4, vm0, $0xb8;
	[tilespmem:$0x10100] =	vst v63  }
0x6a: {  	s0 =	simm.s32 $0xC800;
	v3 =	vperm.xlane v3, v2  }
0x6b: {  	[hbm4b:s4+s2] =	stream.indirect_vreg.scatter [tilespmem:s0], [sflag:$0x1], $0x80, v4, vm0, $0xb8;
	[tilespmem:$0x10100] =	vst v63  }
0x6c: {  	v3 =	vadd.s32 v1, v3;
	s0 =	simm.s32 $0xD000  }
0x6d: {  	[hbm4b:s5+s2] =	stream.indirect_vreg.scatter [tilespmem:s0], [sflag:$0x1], $0x80, v4, vm0, $0xb8;
	[tilespmem:$0x10100] =	vst v63  }
0x6e: {  	s0 =	simm.s32 $0xD800  }
0x6f: {  	[hbm4b:s6+s2] =	stream.indirect_vreg.scatter [tilespmem:s0], [sflag:$0x1], $0x80, v4, vm0, $0xb8;
	[tilespmem:$0x10100] =	vst v63  }
0x70: {  	s0 =	simm.s32 $0xE000  }
0x71: {  	[hbm4b:s3+s2] =	stream.indirect_vreg.scatter [tilespmem:s0], [sflag:$0x1], $0x80, v3, vm0, $0xb8;
	[tilespmem:$0x10100] =	vst v63  }
0x72: {  	s0 =	simm.s32 $0xE800  }
0x73: {  	[hbm4b:s4+s2] =	stream.indirect_vreg.scatter [tilespmem:s0], [sflag:$0x1], $0x80, v3, vm0, $0xb8;
	[tilespmem:$0x10100] =	vst v63  }
0x74: {  	s0 =	simm.s32 $0xF000  }
0x75: {  	[hbm4b:s5+s2] =	stream.indirect_vreg.scatter [tilespmem:s0], [sflag:$0x1], $0x80, v3, vm0, $0xb8;
	[tilespmem:$0x10100] =	vst v63  }
0x76: {  	s0 =	simm.s32 $0xF800  }
0x77: {  	[hbm4b:s6+s2] =	stream.indirect_vreg.scatter [tilespmem:s0], [sflag:$0x1], $0x80, v3, vm0, $0xb8;
	[tilespmem:$0x10100] =	vst v63  }
0x78: {  	v3 =	vld [tilespmem:$0x10080];
	_ =	sdelay $0x4  }
0x79: {  	v60 =	vshll.u32 v3, $0x3  }
0x7a: {  	v3 =	vand.u32 $0x7, v3;
	v4 =	vand.u32 $0xFFFFFFC0, v60  }
0x7b: {  	v3 =	vor.u32 v3, v4  }
0x7c: {  	v4 =	vperm.xlane v3, v0;
	_ =	sdelay $0x1  }
0x7d: {  	v4 =	vadd.s32 v1, v4;
	_ =	sdelay $0x4  }
0x7e: {  	[hbm4b:s3+s2] =	stream.indirect_vreg.scatter [tilespmem:s2], [sflag:$0x1], $0x80, v4, vm0, $0xb8;
	[tilespmem:$0x10100] =	vst v63  }
0x7f: {  	v3 =	vperm.xlane v3, v2  }
0x80: {  	[hbm4b:s4+s2] =	stream.indirect_vreg.scatter [tilespmem:s16], [sflag:$0x1], $0x80, v4, vm0, $0xb8;
	[tilespmem:$0x10100] =	vst v63  }
0x81: {  	v3 =	vadd.s32 v1, v3  }
0x82: {  	[hbm4b:s5+s2] =	stream.indirect_vreg.scatter [tilespmem:s17], [sflag:$0x1], $0x80, v4, vm0, $0xb8;
	[tilespmem:$0x10100] =	vst v63  }
0x83: {  	_ = 	snop  }
0x84: {  	[hbm4b:s6+s2] =	stream.indirect_vreg.scatter [tilespmem:s18], [sflag:$0x1], $0x80, v4, vm0, $0xb8;
	[tilespmem:$0x10100] =	vst v63  }
0x85: {  	_ = 	snop  }
0x86: {  	[hbm4b:s3+s2] =	stream.indirect_vreg.scatter [tilespmem:s19], [sflag:$0x1], $0x80, v3, vm0, $0xb8;
	[tilespmem:$0x10100] =	vst v63  }
0x87: {  	_ = 	snop  }
0x88: {  	[hbm4b:s4+s2] =	stream.indirect_vreg.scatter [tilespmem:s20], [sflag:$0x1], $0x80, v3, vm0, $0xb8;
	[tilespmem:$0x10100] =	vst v63  }
0x89: {  	_ = 	snop  }
0x8a: {  	[hbm4b:s5+s2] =	stream.indirect_vreg.scatter [tilespmem:s21], [sflag:$0x1], $0x80, v3, vm0, $0xb8;
	[tilespmem:$0x10100] =	vst v63  }
0x8b: {  	_ = 	snop  }
0x8c: {  	[hbm4b:s6+s2] =	stream.indirect_vreg.scatter [tilespmem:s22], [sflag:$0x1], $0x80, v3, vm0, $0xb8;
	[tilespmem:$0x10100] =	vst v63  }
0x8d: {  	v3 =	vld [tilespmem:$0x10090];
	_ =	sdelay $0x4  }
0x8e: {  	v61 =	vshll.u32 v3, $0x3  }
0x8f: {  	v3 =	vand.u32 $0x7, v3;
	v4 =	vand.u32 $0xFFFFFFC0, v61  }
0x90: {  	v3 =	vor.u32 v3, v4  }
0x91: {  	v4 =	vperm.xlane v3, v0;
	_ =	sdelay $0x1  }
0x92: {  	v4 =	vadd.s32 v1, v4;
	_ =	sdelay $0x4  }
0x93: {  	[hbm4b:s3+s2] =	stream.indirect_vreg.scatter [tilespmem:s23], [sflag:$0x1], $0x80, v4, vm0, $0xb8;
	[tilespmem:$0x10100] =	vst v63  }
0x94: {  	v3 =	vperm.xlane v3, v2  }
0x95: {  	[hbm4b:s4+s2] =	stream.indirect_vreg.scatter [tilespmem:s24], [sflag:$0x1], $0x80, v4, vm0, $0xb8;
	[tilespmem:$0x10100] =	vst v63  }
0x96: {  	v3 =	vadd.s32 v1, v3  }
0x97: {  	[hbm4b:s5+s2] =	stream.indirect_vreg.scatter [tilespmem:s25], [sflag:$0x1], $0x80, v4, vm0, $0xb8;
	[tilespmem:$0x10100] =	vst v63  }
0x98: {  	_ = 	snop  }
0x99: {  	[hbm4b:s6+s2] =	stream.indirect_vreg.scatter [tilespmem:s26], [sflag:$0x1], $0x80, v4, vm0, $0xb8;
	[tilespmem:$0x10100] =	vst v63  }
0x9a: {  	_ = 	snop  }
0x9b: {  	[hbm4b:s3+s2] =	stream.indirect_vreg.scatter [tilespmem:s28], [sflag:$0x1], $0x80, v3, vm0, $0xb8;
	[tilespmem:$0x10100] =	vst v63  }
0x9c: {  	_ = 	snop  }
0x9d: {  	[hbm4b:s4+s2] =	stream.indirect_vreg.scatter [tilespmem:s29], [sflag:$0x1], $0x80, v3, vm0, $0xb8;
	[tilespmem:$0x10100] =	vst v63  }
0x9e: {  	_ = 	snop  }
0x9f: {  	[hbm4b:s5+s2] =	stream.indirect_vreg.scatter [tilespmem:s30], [sflag:$0x1], $0x80, v3, vm0, $0xb8;
	[tilespmem:$0x10100] =	vst v63  }
0xa0: {  	_ = 	snop  }
0xa1: {  	[hbm4b:s6+s2] =	stream.indirect_vreg.scatter [tilespmem:s31], [sflag:$0x1], $0x80, v3, vm0, $0xb8;
	[tilespmem:$0x10100] =	vst v63  }
0xa2: {  	v3 =	vld [tilespmem:$0x100A0];
	_ =	sdelay $0x4  }
0xa3: {  	v62 =	vshll.u32 v3, $0x3  }
0xa4: {  	v3 =	vand.u32 $0x7, v3;
	v4 =	vand.u32 $0xFFFFFFC0, v62  }
0xa5: {  	v3 =	vor.u32 v3, v4  }
0xa6: {  	v4 =	vperm.xlane v3, v0;
	_ =	sdelay $0x1  }
0xa7: {  	v4 =	vadd.s32 v1, v4;
	_ =	sdelay $0x4  }
0xa8: {  	[hbm4b:s3+s2] =	stream.indirect_vreg.scatter [tilespmem:s1], [sflag:$0x1], $0x80, v4, vm0, $0xb8;
	[tilespmem:$0x10100] =	vst v63  }
0xa9: {  	s16 =	simm.s32 $0x8800;
	v3 =	vperm.xlane v3, v2  }
0xaa: {  	[hbm4b:s4+s2] =	stream.indirect_vreg.scatter [tilespmem:s16], [sflag:$0x1], $0x80, v4, vm0, $0xb8;
	[tilespmem:$0x10100] =	vst v63  }
0xab: {  	v3 =	vadd.s32 v1, v3  }
0xac: {  	[hbm4b:s5+s2] =	stream.indirect_vreg.scatter [tilespmem:s9], [sflag:$0x1], $0x80, v4, vm0, $0xb8;
	[tilespmem:$0x10100] =	vst v63  }
0xad: {  	_ = 	snop  }
0xae: {  	[hbm4b:s6+s2] =	stream.indirect_vreg.scatter [tilespmem:s10], [sflag:$0x1], $0x80, v4, vm0, $0xb8;
	[tilespmem:$0x10100] =	vst v63  }
0xaf: {  	_ = 	snop  }
0xb0: {  	[hbm4b:s3+s2] =	stream.indirect_vreg.scatter [tilespmem:s11], [sflag:$0x1], $0x80, v3, vm0, $0xb8;
	[tilespmem:$0x10100] =	vst v63  }
0xb1: {  	_ = 	snop  }
0xb2: {  	[hbm4b:s4+s2] =	stream.indirect_vreg.scatter [tilespmem:s12], [sflag:$0x1], $0x80, v3, vm0, $0xb8;
	[tilespmem:$0x10100] =	vst v63  }
0xb3: {  	_ = 	snop  }
0xb4: {  	[hbm4b:s5+s2] =	stream.indirect_vreg.scatter [tilespmem:s13], [sflag:$0x1], $0x80, v3, vm0, $0xb8;
	[tilespmem:$0x10100] =	vst v63  }
0xb5: {  	_ = 	snop  }
0xb6: {  	[hbm4b:s6+s2] =	stream.indirect_vreg.scatter [tilespmem:s14], [sflag:$0x1], $0x80, v3, vm0, $0xb8;
	[tilespmem:$0x10100] =	vst v63  }
0xb7: {  	v3 =	vld [tilespmem:$0x100B0];
	_ =	sdelay $0x4  }
0xb8: {  	v63 =	vshll.u32 v3, $0x3  }
0xb9: {  	v3 =	vand.u32 $0x7, v3;
	v4 =	vand.u32 $0xFFFFFFC0, v63  }
0xba: {  	v3 =	vor.u32 v3, v4  }
0xbb: {  	v4 =	vperm.xlane v3, v0;
	_ =	sdelay $0x1  }
0xbc: {  	v4 =	vadd.s32 v1, v4;
	_ =	sdelay $0x4  }
0xbd: {  	[hbm4b:s3+s2] =	stream.indirect_vreg.scatter [tilespmem:s15], [sflag:$0x1], $0x80, v4, vm0, $0xb8;
	[tilespmem:$0x10100] =	vst v63  }
0xbe: {  	s17 =	simm.s32 $0xC800;
	v3 =	vperm.xlane v3, v2  }
0xbf: {  	[hbm4b:s4+s2] =	stream.indirect_vreg.scatter [tilespmem:s17], [sflag:$0x1], $0x80, v4, vm0, $0xb8;
	[tilespmem:$0x10100] =	vst v63  }
0xc0: {  	s18 =	simm.s32 $0xD000;
	v3 =	vadd.s32 v1, v3  }
0xc1: {  	[hbm4b:s5+s2] =	stream.indirect_vreg.scatter [tilespmem:s18], [sflag:$0x1], $0x80, v4, vm0, $0xb8;
	[tilespmem:$0x10100] =	vst v63  }
0xc2: {  	s19 =	simm.s32 $0xD800  }
0xc3: {  	[hbm4b:s6+s2] =	stream.indirect_vreg.scatter [tilespmem:s19], [sflag:$0x1], $0x80, v4, vm0, $0xb8;
	[tilespmem:$0x10100] =	vst v63  }
0xc4: {  	s16 =	simm.s32 $0xE000  }
0xc5: {  	[hbm4b:s3+s2] =	stream.indirect_vreg.scatter [tilespmem:s16], [sflag:$0x1], $0x80, v3, vm0, $0xb8;
	[tilespmem:$0x10100] =	vst v63  }
0xc6: {  	s17 =	simm.s32 $0xE800  }
0xc7: {  	[hbm4b:s4+s2] =	stream.indirect_vreg.scatter [tilespmem:s17], [sflag:$0x1], $0x80, v3, vm0, $0xb8;
	[tilespmem:$0x10100] =	vst v63  }
0xc8: {  	s18 =	simm.s32 $0xF000  }
0xc9: {  	[hbm4b:s5+s2] =	stream.indirect_vreg.scatter [tilespmem:s18], [sflag:$0x1], $0x80, v3, vm0, $0xb8;
	[tilespmem:$0x10100] =	vst v63  }
0xca: {  	s19 =	simm.s32 $0xF800  }
0xcb: {  	[hbm4b:s6+s2] =	stream.indirect_vreg.scatter [tilespmem:s19], [sflag:$0x1], $0x80, v3, vm0, $0xb8;
	[tilespmem:$0x10100] =	vst v63  }
0xcc: {  	p0 =	sne.s32 s7, $0x1;
	_ =	swait.ge [sflag:s8], $0x10000  }
.Ltmp0:
0xcd: {  	[sflag:s8] =	ssyncset.done $0x0;
	(pc) =	sbr.rel @p0 .LBB2_1-.Ltmp0, $4  }
0xce: {  	[sflag:s8] =	ssyncadd.s32 $0xFFFF0000  }
0xcf: {  	_ =	swait.ge [sflag:s8], $0x10000  }
0xd0: {  	[sflag:s8] =	ssyncset.done $0x0  }
0xd1: {  	s7 =	sadd.s32 $0xFFFFFFFF, s7;
	[sflag:s8] =	ssyncadd.s32 $0xFFFF0000  }
0xd2: {  	_ =	sfence.sel $0x180000  }
0xd3: {  	[bflag:$0x0] =	sbarrier.arrive $0xFFFF  }
0xd4: {  	_ =	strace $0x90000047  }
0xd5: {  	s0 =	stileid.u32;
	[bflag:$0x2] =	sbarrier.arrive $0xFFFF  }
0xd6: {  	p0 =	sne.s32 s0, $0x0;
	s0 =	rddreg [dreg:$0x2]  }
0xd7: {  	s0 =	sadd.s32 @!p0 $0x100000, s0  }
0xd8: {  	[sflag:s0] =	ssyncadd.tile.s32 @!p0 $0x1;
	_ =	shalt  }
.Lfunc_end2:
_tile_overlayer_lowered:
.L_overlay_start_2:
0xd9: {  	(tag) =	ssettag $0x2  }
0xda: {  	s0 =	rddreg [dreg:$0x0];
	s2 =	stileid.u32  }
0xdb: {  	s1 =	rddreg [dreg:$0x1];
	p0 =	sne.s32 s2, $0x0  }
0xdc: {  	s3 =	rddreg [dreg:$0x2];
	[bflag:$0x3] =	sbarrier.arrive $0xFFFF;
	s2 =	simm.s32 @!p0 $0x1C02  }
0xdd: {  	[timem:s3], [sflag:s2] =	dma.local @!p0 [hbm:s0], s1  }
0xde: {  	s0 =	simm.s32 @!p0 $0x2  }
0xdf: {  	_ =	swait.ge @!p0 [sflag:s0], s1  }
0xe0: {  	s1 =	ssub.s32 @!p0 $0x0, s1;
	[sflag:s0] =	ssyncset.done @!p0 $0x0  }
0xe1: {  	[sflag:s0] =	ssyncadd.s32 @!p0 s1  }
0xe2: {  	[bflag:$0x3] =	sbarrier.arrive $0xFFFF  }
0xe3: {  	_ =	shalt  }

</sc_bundles>
